<compile_context>
chip_gen: v7x
topology: tpu7x:2x2x1
jax: 0.10.2.dev20260603
libtpu: 0.0.44.dev20260713+nightly
codegen_flags: <defaults>
</compile_context>

<pallas_src>
import functools

import jax
import jax.numpy as jnp
from jax import lax
from jax.experimental import pallas as pl
from jax.experimental.pallas import tpu as pltpu
from jax.experimental.pallas import tpu_sc as plsc

N_NODES = 10000
N_EDGES = 320000
D_FEAT = 128
UNITS = 128

NC = 2
NS = 16
NW = NC * NS
EW = N_EDGES // NW
C = 80
NCH = EW // C
BL = 6
BI = BL * C
NIT = 10
TAIL = NCH - 12 * NIT
EWP = EW + C
R_TILE = 624
R_TAIL_BASE = NS * R_TILE
R_TAIL = N_NODES - R_TAIL_BASE


def _sc_body(x_hbm, row_hbm, col_hbm, out_hbm, cnt_hbm,
             rbA, cbA, rbB, cbB, g0, g1, g2, cnt_v, shared,
             semg0, semg1, semg2, sems0, sems1, sems2, semi_a, semi_b):
    g = (g0, g1, g2)
    semg = (semg0, semg1, semg2)
    sems = (sems0, sems1, sems2)

    c = lax.axis_index("c")
    s = lax.axis_index("s")
    wid = c * NS + s
    base = wid * EWP

    pltpu.async_copy(row_hbm.at[pl.ds(base, BI)], rbA, semi_a)
    pltpu.async_copy(col_hbm.at[pl.ds(base, BI)], cbA, semi_a)

    def zrow(r, carry):
        for k in range(D_FEAT // 16):
            g2[r, pl.ds(k * 16, 16)] = jnp.zeros((16,), jnp.float32)
        return carry

    lax.fori_loop(0, C, zrow, 0)

    def zcnt(i, carry):
        cnt_v[pl.ds(i * 16, 16)] = jnp.zeros((16,), jnp.float32)
        return carry

    lax.fori_loop(0, N_NODES // 16, zcnt, 0)

    pltpu.make_async_copy(row_hbm.at[pl.ds(0, BI)], rbA, semi_a).wait()
    pltpu.make_async_copy(row_hbm.at[pl.ds(0, BI)], cbA, semi_a).wait()

    pltpu.async_copy(x_hbm.at[cbA.at[pl.ds(0, C)]], g0, semg0)
    pltpu.async_copy(x_hbm.at[cbA.at[pl.ds(C, C)]], g1, semg1)

    r0 = s * R_TILE
    ZREM = R_TILE - (R_TILE // C) * C
    for k in range(R_TILE // C):
        pltpu.async_copy(g2, shared.at[pl.ds(r0 + k * C, C)], sems0)
    pltpu.async_copy(g2.at[pl.ds(0, ZREM)],
                     shared.at[pl.ds(r0 + (R_TILE // C) * C, ZREM)], sems0)

    @pl.when(s == NS - 1)
    def _zero_tail():
        pltpu.sync_copy(g2.at[pl.ds(0, R_TAIL)],
                        shared.at[pl.ds(R_TAIL_BASE, R_TAIL)])

    for k in range(R_TILE // C):
        pltpu.make_async_copy(x_hbm.at[pl.ds(0, C)], g2, sems0).wait()
    pltpu.make_async_copy(x_hbm.at[pl.ds(0, ZREM)], g2.at[pl.ds(0, ZREM)],
                          sems0).wait()

    plsc.subcore_barrier()

    pltpu.async_copy(g2, shared.at[rbA.at[pl.ds(0, C)]], sems2, add=True)

    ones16 = jnp.ones((16,), jnp.float32)

    def wait_dma(buf, sem):
        pltpu.make_async_copy(x_hbm.at[pl.ds(0, C)], buf, sem).wait()

    def wait_idx(dst, sem):
        pltpu.make_async_copy(row_hbm.at[pl.ds(0, BI)], dst, sem).wait()

    def gather_issue(cb_buf, off, bp):
        pltpu.async_copy(x_hbm.at[cb_buf.at[pl.ds(off, C)]], g[bp], semg[bp])

    def scat_issue(rb_buf, off, bp):
        pltpu.async_copy(g[bp], shared.at[rb_buf.at[pl.ds(off, C)]],
                         sems[bp], add=True)

    def count_blk(rb_buf, off):
        for k in range(C // 16):
            idx = rb_buf[pl.ds(off + k * 16, 16)]
            plsc.addupdate_scatter(cnt_v, [idx], ones16)

    def body(t, carry):
        for p in range(12):
            bp = p % 3
            bprev = (p + 2) % 3
            wait_dma(g[bp], semg[bp])
            wait_dma(g[bprev], sems[bprev])
            if p == 0:
                off_b = base + t * (12 * C) + BI
                pltpu.async_copy(row_hbm.at[pl.ds(off_b, BI)], rbB, semi_b)
                pltpu.async_copy(col_hbm.at[pl.ds(off_b, BI)], cbB, semi_b)
            if p == 4:
                wait_idx(rbB, semi_b)
                wait_idx(cbB, semi_b)
            if p == 6:
                off_a = base + (t + 1) * (12 * C)
                pltpu.async_copy(row_hbm.at[pl.ds(off_a, BI)], rbA, semi_a)
                pltpu.async_copy(col_hbm.at[pl.ds(off_a, BI)], cbA, semi_a)
            if p == 10:
                wait_idx(rbA, semi_a)
                wait_idx(cbA, semi_a)
            jp2 = p + 2
            if jp2 <= 5:
                gather_issue(cbA, jp2 * C, bprev)
            elif jp2 <= 11:
                gather_issue(cbB, (jp2 - 6) * C, bprev)
            else:
                gather_issue(cbA, (jp2 - 12) * C, bprev)
            if p <= 5:
                rb_buf, off = rbA, p * C
            else:
                rb_buf, off = rbB, (p - 6) * C
            scat_issue(rb_buf, off, bp)
            count_blk(rb_buf, off)
        return carry

    lax.fori_loop(0, NIT, body, 0)

    for p in range(TAIL):
        bp = p % 3
        bprev = (p + 2) % 3
        wait_dma(g[bp], semg[bp])
        wait_dma(g[bprev], sems[bprev])
        jp2 = p + 2
        if jp2 < TAIL:
            gather_issue(cbA, jp2 * C, bprev)
        scat_issue(rbA, p * C, bp)
        count_blk(rbA, p * C)
    wait_dma(g[(TAIL - 1) % 3], sems[(TAIL - 1) % 3])

    plsc.subcore_barrier()

    pltpu.async_copy(cnt_v, cnt_hbm.at[pl.ds(wid * N_NODES, N_NODES)], semg0)
    pltpu.sync_copy(
        shared.at[pl.ds(r0, R_TILE)],
        out_hbm.at[c, pl.ds(r0, R_TILE)],
    )

    @pl.when(s == NS - 1)
    def _out_tail():
        pltpu.sync_copy(
            shared.at[pl.ds(R_TAIL_BASE, R_TAIL)],
            out_hbm.at[c, pl.ds(R_TAIL_BASE, R_TAIL)],
        )

    pltpu.make_async_copy(
        cnt_v, cnt_hbm.at[pl.ds(wid * N_NODES, N_NODES)], semg0).wait()


_sc_aggregate = functools.partial(
    pl.kernel,
    out_type=(
        jax.ShapeDtypeStruct((NC, N_NODES, D_FEAT), jnp.float32),
        jax.ShapeDtypeStruct((NW * N_NODES,), jnp.float32),
    ),
    mesh=plsc.VectorSubcoreMesh(core_axis_name="c", subcore_axis_name="s"),
    compiler_params=pltpu.CompilerParams(needs_layout_passes=False),
    scratch_types=[
        pltpu.VMEM((BI,), jnp.int32),
        pltpu.VMEM((BI,), jnp.int32),
        pltpu.VMEM((BI,), jnp.int32),
        pltpu.VMEM((BI,), jnp.int32),
        pltpu.VMEM((C, D_FEAT), jnp.float32),
        pltpu.VMEM((C, D_FEAT), jnp.float32),
        pltpu.VMEM((C, D_FEAT), jnp.float32),
        pltpu.VMEM((N_NODES,), jnp.float32),
        pltpu.VMEM_SHARED((N_NODES, D_FEAT), jnp.float32),
        pltpu.SemaphoreType.DMA,
        pltpu.SemaphoreType.DMA,
        pltpu.SemaphoreType.DMA,
        pltpu.SemaphoreType.DMA,
        pltpu.SemaphoreType.DMA,
        pltpu.SemaphoreType.DMA,
        pltpu.SemaphoreType.DMA,
        pltpu.SemaphoreType.DMA,
    ],
)(_sc_body)


def _tc_body(part_ref, cnt_ref, x_ref, wn_ref, ws_ref, b_ref, out_ref):
    seg = part_ref[0] + part_ref[1]
    cnt = jnp.sum(cnt_ref[...], axis=1, keepdims=True)
    mean = seg / jnp.maximum(cnt, 1.0)
    h1 = jnp.dot(mean, wn_ref[...], preferred_element_type=jnp.float32)
    h2 = jnp.dot(x_ref[...], ws_ref[...], preferred_element_type=jnp.float32)
    h = jnp.concatenate([h1, h2], axis=1) + b_ref[...]
    out_ref[...] = jnp.maximum(h, 0.0)


_TC_BLOCK = 2000


def _tc_epilogue(part, cnt_t, x, wn, ws, bias2d):
    grid = (N_NODES // _TC_BLOCK,)
    return pl.pallas_call(
        _tc_body,
        grid=grid,
        in_specs=[
            pl.BlockSpec((NC, _TC_BLOCK, D_FEAT), lambda i: (0, i, 0)),
            pl.BlockSpec((_TC_BLOCK, NW), lambda i: (i, 0)),
            pl.BlockSpec((_TC_BLOCK, D_FEAT), lambda i: (i, 0)),
            pl.BlockSpec((D_FEAT, UNITS), lambda i: (0, 0)),
            pl.BlockSpec((D_FEAT, UNITS), lambda i: (0, 0)),
            pl.BlockSpec((1, 2 * UNITS), lambda i: (0, 0)),
        ],
        out_specs=pl.BlockSpec((_TC_BLOCK, 2 * UNITS), lambda i: (i, 0)),
        out_shape=jax.ShapeDtypeStruct((N_NODES, 2 * UNITS), jnp.float32),
    )(part, cnt_t, x, wn, ws, bias2d)


def kernel(x, edge_index, neighs_kernel, self_kernel, bias):
    row = jnp.pad(edge_index[0].reshape(NW, EW),
                  ((0, 0), (0, EWP - EW))).reshape(-1)
    col = jnp.pad(edge_index[1].reshape(NW, EW),
                  ((0, 0), (0, EWP - EW))).reshape(-1)
    part, cnt = _sc_aggregate(x, row, col)
    cnt_t = cnt.reshape(NW, N_NODES).T
    return _tc_epilogue(part, cnt_t, x, neighs_kernel, self_kernel,
                        bias.reshape(1, 2 * UNITS))

# --- scband reference (transcript-rebuilt; emitter-appended) ---
"""Pipeline reference for scband-mean-aggregator-37254546326089 (READ-ONLY COPY).

The authoritative reference and input builder live on the scoring server;
editing this copy changes nothing except your own understanding.
"""

import jax, jax.numpy as jnp
import numpy as np

N_NODES = 10000
N_EDGES = 320000
D_FEAT = 128
UNITS = 128


def setup_inputs(seed: int = 0) -> dict:
    key = jax.random.key(seed)
    k1, k2, k3, k4 = jax.random.split(key, 4)
    x = jax.random.normal(k1, (N_NODES, D_FEAT), dtype=jnp.float32)
    edge_index = jax.random.randint(k2, (2, N_EDGES), 0, N_NODES, dtype=jnp.int32)
    # glorot-uniform-like init for kernels
    limit = float(np.sqrt(6.0 / (D_FEAT + UNITS)))
    neighs_kernel = jax.random.uniform(k3, (D_FEAT, UNITS), dtype=jnp.float32, minval=-limit, maxval=limit)
    self_kernel = jax.random.uniform(k4, (D_FEAT, UNITS), dtype=jnp.float32, minval=-limit, maxval=limit)
    bias = jnp.zeros((2 * UNITS,), dtype=jnp.float32)
    return {"x": x, "edge_index": edge_index, "neighs_kernel": neighs_kernel, "self_kernel": self_kernel, "bias": bias}


def reference(x, edge_index, neighs_kernel, self_kernel, bias):
    # Mean_Aggregator.call: gather neighbor features, unsorted_segment_mean by dst (row),
    # project neighbors and self, concat, add bias, relu.
    row = edge_index[0]
    col = edge_index[1]
    num_nodes = x.shape[0]
    neighbor_x = jnp.take(x, col, axis=0)  # gather
    seg_sum = jax.ops.segment_sum(neighbor_x, row, num_segments=num_nodes)
    counts = jax.ops.segment_sum(jnp.ones((row.shape[0],), dtype=x.dtype), row, num_segments=num_nodes)
    # tf.math.unsorted_segment_mean returns 0 for empty segments
    neighbor_reduced_msg = seg_sum / jnp.maximum(counts, 1.0)[:, None]
    neighbor_msg = neighbor_reduced_msg @ neighs_kernel
    x_self = x @ self_kernel
    h = jnp.concatenate([neighbor_msg, x_self], axis=1)
    h = h + bias
    h = jax.nn.relu(h)
    return h

if __name__ == "__main__":
    import jax
    _d = setup_inputs()
    print(jax.jit(kernel)(*tuple(_d.values())))

</pallas_src>

<mosaic_0001>
#map = affine_map<(d0, d1) -> (0, 0)>
#map1 = affine_map<(d0, d1) -> (0)>
#map2 = affine_map<(d0, d1) -> (0, 0, 0)>
module attributes {stable_mosaic.version = 14 : i64} {
  func.func @_sc_body(%arg0: i32, %arg1: i32, %arg2: memref<10000x128xf32, #tpu.memory_space<hbm>>, %arg3: memref<322560xi32, #tpu.memory_space<hbm>>, %arg4: memref<322560xi32, #tpu.memory_space<hbm>>, %arg5: memref<2x10000x128xf32, #tpu.memory_space<hbm>>, %arg6: memref<320000xf32, #tpu.memory_space<hbm>>, %arg7: memref<480xi32, #tpu.memory_space<vmem>>, %arg8: memref<480xi32, #tpu.memory_space<vmem>>, %arg9: memref<480xi32, #tpu.memory_space<vmem>>, %arg10: memref<480xi32, #tpu.memory_space<vmem>>, %arg11: memref<80x128xf32, #tpu.memory_space<vmem>>, %arg12: memref<80x128xf32, #tpu.memory_space<vmem>>, %arg13: memref<80x128xf32, #tpu.memory_space<vmem>>, %arg14: memref<10000xf32, #tpu.memory_space<vmem>>, %arg15: memref<10000x128xf32, #tpu.memory_space<vmem_shared>>, %arg16: memref<!tpu.dma_semaphore, #tpu.memory_space<semaphore_mem>>, %arg17: memref<!tpu.dma_semaphore, #tpu.memory_space<semaphore_mem>>, %arg18: memref<!tpu.dma_semaphore, #tpu.memory_space<semaphore_mem>>, %arg19: memref<!tpu.dma_semaphore, #tpu.memory_space<semaphore_mem>>, %arg20: memref<!tpu.dma_semaphore, #tpu.memory_space<semaphore_mem>>, %arg21: memref<!tpu.dma_semaphore, #tpu.memory_space<semaphore_mem>>, %arg22: memref<!tpu.dma_semaphore, #tpu.memory_space<semaphore_mem>>, %arg23: memref<!tpu.dma_semaphore, #tpu.memory_space<semaphore_mem>>) attributes {dimension_semantics = [#tpu.dimension_semantics<core_parallel>, #tpu.dimension_semantics<subcore_parallel>], iteration_bounds = array<i64: 2, 16>, scalar_prefetch = 0 : i64, scratch_operands = 17 : i64, tpu.core_type = #tpu.core_type<sc_vector_subcore>, window_params = [{transform_indices = #map}, {transform_indices = #map1}, {transform_indices = #map1}, {transform_indices = #map2}, {transform_indices = #map1}]} {
    %mul3A = arith.constant 16 : i32
    %mul3A_0 = arith.muli %arg0, %mul3A : i32
    %add3A = arith.addi %mul3A_0, %arg1 : i32
    %mul3A_1 = arith.constant 10080 : i32
    %mul3A_2 = arith.muli %add3A, %mul3A_1 : i32
    %dma_start3A = tpu.memref_slice %arg3[%mul3A_2] : memref<322560xi32, #tpu.memory_space<hbm>> -> memref<480xi32, #tpu.memory_space<hbm>>
    %dma_start3A_3 = tpu.memref_slice %arg3[%mul3A_2] : memref<322560xi32, #tpu.memory_space<hbm>> -> memref<480xi32, #tpu.memory_space<hbm>>
    tpu.enqueue_dma source(%dma_start3A_3 : memref<480xi32, #tpu.memory_space<hbm>>) target(%arg7 : memref<480xi32, #tpu.memory_space<vmem>>) target_semaphore(%arg22 : memref<!tpu.dma_semaphore, #tpu.memory_space<semaphore_mem>>)
    %dma_start3A_4 = tpu.memref_slice %arg4[%mul3A_2] : memref<322560xi32, #tpu.memory_space<hbm>> -> memref<480xi32, #tpu.memory_space<hbm>>
    %dma_start3A_5 = tpu.memref_slice %arg4[%mul3A_2] : memref<322560xi32, #tpu.memory_space<hbm>> -> memref<480xi32, #tpu.memory_space<hbm>>
    tpu.enqueue_dma source(%dma_start3A_5 : memref<480xi32, #tpu.memory_space<hbm>>) target(%arg8 : memref<480xi32, #tpu.memory_space<vmem>>) target_semaphore(%arg22 : memref<!tpu.dma_semaphore, #tpu.memory_space<semaphore_mem>>)
    %scan3A = arith.constant 0 : i32
    %scan3A_6 = arith.constant 0 : i32
    %scan3A_7 = arith.constant 80 : i32
    %scan3A_8 = arith.addi %scan3A_6, %scan3A_7 : i32
    %scan3A_9 = arith.constant 1 : i32
    scf.for %scan3A_327 = %scan3A_6 to %scan3A_8 step %scan3A_9  : i32 {
      %broadcast_in_dim3A_328 = arith.constant 0.000000e+00 : f32
      %broadcast_in_dim3A_329 = vector.broadcast %broadcast_in_dim3A_328 : f32 to vector<16xf32>
      %swap3A = arith.index_cast %scan3A_327 : i32 to index
      %swap3A_330 = arith.constant 0 : index
      %swap3A_331 = tpu.vector_load %arg13[%swap3A, %swap3A_330] {strides = array<i32>} : memref<80x128xf32, #tpu.memory_space<vmem>>, vector<16xf32>,
      tpu.vector_store %arg13[%swap3A, %swap3A_330], %broadcast_in_dim3A_329 {strides = array<i32>} : memref<80x128xf32, #tpu.memory_space<vmem>>, vector<16xf32>,
      %broadcast_in_dim3A_332 = arith.constant 0.000000e+00 : f32
      %broadcast_in_dim3A_333 = vector.broadcast %broadcast_in_dim3A_332 : f32 to vector<16xf32>
      %swap3A_334 = arith.index_cast %scan3A_327 : i32 to index
      %swap3A_335 = arith.constant 16 : index
      %swap3A_336 = tpu.vector_load %arg13[%swap3A_334, %swap3A_335] {strides = array<i32>} : memref<80x128xf32, #tpu.memory_space<vmem>>, vector<16xf32>,
      tpu.vector_store %arg13[%swap3A_334, %swap3A_335], %broadcast_in_dim3A_333 {strides = array<i32>} : memref<80x128xf32, #tpu.memory_space<vmem>>, vector<16xf32>,
      %broadcast_in_dim3A_337 = arith.constant 0.000000e+00 : f32
      %broadcast_in_dim3A_338 = vector.broadcast %broadcast_in_dim3A_337 : f32 to vector<16xf32>
      %swap3A_339 = arith.index_cast %scan3A_327 : i32 to index
      %swap3A_340 = arith.constant 32 : index
      %swap3A_341 = tpu.vector_load %arg13[%swap3A_339, %swap3A_340] {strides = array<i32>} : memref<80x128xf32, #tpu.memory_space<vmem>>, vector<16xf32>,
      tpu.vector_store %arg13[%swap3A_339, %swap3A_340], %broadcast_in_dim3A_338 {strides = array<i32>} : memref<80x128xf32, #tpu.memory_space<vmem>>, vector<16xf32>,
      %broadcast_in_dim3A_342 = arith.constant 0.000000e+00 : f32
      %broadcast_in_dim3A_343 = vector.broadcast %broadcast_in_dim3A_342 : f32 to vector<16xf32>
      %swap3A_344 = arith.index_cast %scan3A_327 : i32 to index
      %swap3A_345 = arith.constant 48 : index
      %swap3A_346 = tpu.vector_load %arg13[%swap3A_344, %swap3A_345] {strides = array<i32>} : memref<80x128xf32, #tpu.memory_space<vmem>>, vector<16xf32>,
      tpu.vector_store %arg13[%swap3A_344, %swap3A_345], %broadcast_in_dim3A_343 {strides = array<i32>} : memref<80x128xf32, #tpu.memory_space<vmem>>, vector<16xf32>,
      %broadcast_in_dim3A_347 = arith.constant 0.000000e+00 : f32
      %broadcast_in_dim3A_348 = vector.broadcast %broadcast_in_dim3A_347 : f32 to vector<16xf32>
      %swap3A_349 = arith.index_cast %scan3A_327 : i32 to index
      %swap3A_350 = arith.constant 64 : index
      %swap3A_351 = tpu.vector_load %arg13[%swap3A_349, %swap3A_350] {strides = array<i32>} : memref<80x128xf32, #tpu.memory_space<vmem>>, vector<16xf32>,
      tpu.vector_store %arg13[%swap3A_349, %swap3A_350], %broadcast_in_dim3A_348 {strides = array<i32>} : memref<80x128xf32, #tpu.memory_space<vmem>>, vector<16xf32>,
      %broadcast_in_dim3A_352 = arith.constant 0.000000e+00 : f32
      %broadcast_in_dim3A_353 = vector.broadcast %broadcast_in_dim3A_352 : f32 to vector<16xf32>
      %swap3A_354 = arith.index_cast %scan3A_327 : i32 to index
      %swap3A_355 = arith.constant 80 : index
      %swap3A_356 = tpu.vector_load %arg13[%swap3A_354, %swap3A_355] {strides = array<i32>} : memref<80x128xf32, #tpu.memory_space<vmem>>, vector<16xf32>,
      tpu.vector_store %arg13[%swap3A_354, %swap3A_355], %broadcast_in_dim3A_353 {strides = array<i32>} : memref<80x128xf32, #tpu.memory_space<vmem>>, vector<16xf32>,
      %broadcast_in_dim3A_357 = arith.constant 0.000000e+00 : f32
      %broadcast_in_dim3A_358 = vector.broadcast %broadcast_in_dim3A_357 : f32 to vector<16xf32>
      %swap3A_359 = arith.index_cast %scan3A_327 : i32 to index
      %swap3A_360 = arith.constant 96 : index
      %swap3A_361 = tpu.vector_load %arg13[%swap3A_359, %swap3A_360] {strides = array<i32>} : memref<80x128xf32, #tpu.memory_space<vmem>>, vector<16xf32>,
      tpu.vector_store %arg13[%swap3A_359, %swap3A_360], %broadcast_in_dim3A_358 {strides = array<i32>} : memref<80x128xf32, #tpu.memory_space<vmem>>, vector<16xf32>,
      %broadcast_in_dim3A_362 = arith.constant 0.000000e+00 : f32
      %broadcast_in_dim3A_363 = vector.broadcast %broadcast_in_dim3A_362 : f32 to vector<16xf32>
      %swap3A_364 = arith.index_cast %scan3A_327 : i32 to index
      %swap3A_365 = arith.constant 112 : index
      %swap3A_366 = tpu.vector_load %arg13[%swap3A_364, %swap3A_365] {strides = array<i32>} : memref<80x128xf32, #tpu.memory_space<vmem>>, vector<16xf32>,
      tpu.vector_store %arg13[%swap3A_364, %swap3A_365], %broadcast_in_dim3A_363 {strides = array<i32>} : memref<80x128xf32, #tpu.memory_space<vmem>>, vector<16xf32>,
    }
    %scan3A_10 = arith.constant 80 : i32
    %scan3A_11 = arith.constant 0 : i32
    %scan3A_12 = arith.constant 0 : i32
    %scan3A_13 = arith.constant 625 : i32
    %scan3A_14 = arith.addi %scan3A_12, %scan3A_13 : i32
    %scan3A_15 = arith.constant 1 : i32
    scf.for %scan3A_327 = %scan3A_12 to %scan3A_14 step %scan3A_15  : i32 {
      %broadcast_in_dim3A_328 = arith.constant 0.000000e+00 : f32
      %broadcast_in_dim3A_329 = vector.broadcast %broadcast_in_dim3A_328 : f32 to vector<16xf32>
      %mul3A_330 = arith.constant 16 : i32
      %mul3A_331 = arith.muli %scan3A_327, %mul3A_330 : i32
      %swap3A = arith.index_cast %mul3A_331 : i32 to index
      %swap3A_332 = tpu.vector_load %arg14[%swap3A] {strides = array<i32>} : memref<10000xf32, #tpu.memory_space<vmem>>, vector<16xf32>,
      tpu.vector_store %arg14[%swap3A], %broadcast_in_dim3A_329 {strides = array<i32>} : memref<10000xf32, #tpu.memory_space<vmem>>, vector<16xf32>,
    }
    %scan3A_16 = arith.constant 625 : i32
    %dma_wait3A = arith.constant 0 : i32
    %dma_wait3A_17 = tpu.memref_slice %arg3[%dma_wait3A] : memref<322560xi32, #tpu.memory_space<hbm>> -> memref<480xi32, #tpu.memory_space<hbm>>
    %dma_wait3A_18 = arith.constant 0 : i32
    %dma_wait3A_19 = tpu.memref_slice %arg3[%dma_wait3A_18] : memref<322560xi32, #tpu.memory_space<hbm>> -> memref<480xi32, #tpu.memory_space<hbm>>
    tpu.wait_dma2 semaphore(%arg22 : memref<!tpu.dma_semaphore, #tpu.memory_space<semaphore_mem>>) src(%dma_wait3A_19 : memref<480xi32, #tpu.memory_space<hbm>>) dst(%arg7 : memref<480xi32, #tpu.memory_space<vmem>>)
    %dma_wait3A_20 = arith.constant 0 : i32
    %dma_wait3A_21 = tpu.memref_slice %arg3[%dma_wait3A_20] : memref<322560xi32, #tpu.memory_space<hbm>> -> memref<480xi32, #tpu.memory_space<hbm>>
    %dma_wait3A_22 = arith.constant 0 : i32
    %dma_wait3A_23 = tpu.memref_slice %arg3[%dma_wait3A_22] : memref<322560xi32, #tpu.memory_space<hbm>> -> memref<480xi32, #tpu.memory_space<hbm>>
    tpu.wait_dma2 semaphore(%arg22 : memref<!tpu.dma_semaphore, #tpu.memory_space<semaphore_mem>>) src(%dma_wait3A_23 : memref<480xi32, #tpu.memory_space<hbm>>) dst(%arg8 : memref<480xi32, #tpu.memory_space<vmem>>)
    %dma_start3A_24 = arith.constant 0 : i32
    %dma_start3A_25 = tpu.memref_slice %arg8[%dma_start3A_24] : memref<480xi32, #tpu.memory_space<vmem>> -> memref<80xi32, #tpu.memory_space<vmem>>
    %dma_start3A_26 = arith.constant 0 : i32
    %dma_start3A_27 = arith.constant 0 : i32
    %dma_start3A_28 = tpu.memref_slice %arg2[%dma_start3A_26, %dma_start3A_27] : memref<10000x128xf32, #tpu.memory_space<hbm>> -> memref<10000x128xf32, #tpu.memory_space<hbm>>
    tpu.enqueue_indirect_dma source(%dma_start3A_28 : memref<10000x128xf32, #tpu.memory_space<hbm>>) target(%arg11 : memref<80x128xf32, #tpu.memory_space<vmem>>) offsets(%dma_start3A_25 : memref<80xi32, #tpu.memory_space<vmem>>) semaphore(%arg16 : memref<!tpu.dma_semaphore, #tpu.memory_space<semaphore_mem>>)
    %dma_start3A_29 = arith.constant 80 : i32
    %dma_start3A_30 = tpu.memref_slice %arg8[%dma_start3A_29] : memref<480xi32, #tpu.memory_space<vmem>> -> memref<80xi32, #tpu.memory_space<vmem>>
    %dma_start3A_31 = arith.constant 0 : i32
    %dma_start3A_32 = arith.constant 0 : i32
    %dma_start3A_33 = tpu.memref_slice %arg2[%dma_start3A_31, %dma_start3A_32] : memref<10000x128xf32, #tpu.memory_space<hbm>> -> memref<10000x128xf32, #tpu.memory_space<hbm>>
    tpu.enqueue_indirect_dma source(%dma_start3A_33 : memref<10000x128xf32, #tpu.memory_space<hbm>>) target(%arg12 : memref<80x128xf32, #tpu.memory_space<vmem>>) offsets(%dma_start3A_30 : memref<80xi32, #tpu.memory_space<vmem>>) semaphore(%arg17 : memref<!tpu.dma_semaphore, #tpu.memory_space<semaphore_mem>>)
    %mul3A_34 = arith.constant 624 : i32
    %mul3A_35 = arith.muli %arg1, %mul3A_34 : i32
    %add3A_36 = arith.constant 0 : i32
    %add3A_37 = arith.addi %mul3A_35, %add3A_36 : i32
    %dma_start3A_38 = arith.constant 0 : i32
    %dma_start3A_39 = tpu.memref_slice %arg15[%add3A_37, %dma_start3A_38] : memref<10000x128xf32, #tpu.memory_space<vmem_shared>> -> memref<80x128xf32, #tpu.memory_space<vmem_shared>>
    %dma_start3A_40 = arith.constant 0 : i32
    %dma_start3A_41 = tpu.memref_slice %arg15[%add3A_37, %dma_start3A_40] : memref<10000x128xf32, #tpu.memory_space<vmem_shared>> -> memref<80x128xf32, #tpu.memory_space<vmem_shared>>
    tpu.enqueue_dma source(%arg13 : memref<80x128xf32, #tpu.memory_space<vmem>>) target(%dma_start3A_41 : memref<80x128xf32, #tpu.memory_space<vmem_shared>>) target_semaphore(%arg19 : memref<!tpu.dma_semaphore, #tpu.memory_space<semaphore_mem>>)
    %add3A_42 = arith.constant 80 : i32
    %add3A_43 = arith.addi %mul3A_35, %add3A_42 : i32
    %dma_start3A_44 = arith.constant 0 : i32
    %dma_start3A_45 = tpu.memref_slice %arg15[%add3A_43, %dma_start3A_44] : memref<10000x128xf32, #tpu.memory_space<vmem_shared>> -> memref<80x128xf32, #tpu.memory_space<vmem_shared>>
    %dma_start3A_46 = arith.constant 0 : i32
    %dma_start3A_47 = tpu.memref_slice %arg15[%add3A_43, %dma_start3A_46] : memref<10000x128xf32, #tpu.memory_space<vmem_shared>> -> memref<80x128xf32, #tpu.memory_space<vmem_shared>>
    tpu.enqueue_dma source(%arg13 : memref<80x128xf32, #tpu.memory_space<vmem>>) target(%dma_start3A_47 : memref<80x128xf32, #tpu.memory_space<vmem_shared>>) target_semaphore(%arg19 : memref<!tpu.dma_semaphore, #tpu.memory_space<semaphore_mem>>)
    %add3A_48 = arith.constant 160 : i32
    %add3A_49 = arith.addi %mul3A_35, %add3A_48 : i32
    %dma_start3A_50 = arith.constant 0 : i32
    %dma_start3A_51 = tpu.memref_slice %arg15[%add3A_49, %dma_start3A_50] : memref<10000x128xf32, #tpu.memory_space<vmem_shared>> -> memref<80x128xf32, #tpu.memory_space<vmem_shared>>
    %dma_start3A_52 = arith.constant 0 : i32
    %dma_start3A_53 = tpu.memref_slice %arg15[%add3A_49, %dma_start3A_52] : memref<10000x128xf32, #tpu.memory_space<vmem_shared>> -> memref<80x128xf32, #tpu.memory_space<vmem_shared>>
    tpu.enqueue_dma source(%arg13 : memref<80x128xf32, #tpu.memory_space<vmem>>) target(%dma_start3A_53 : memref<80x128xf32, #tpu.memory_space<vmem_shared>>) target_semaphore(%arg19 : memref<!tpu.dma_semaphore, #tpu.memory_space<semaphore_mem>>)
    %add3A_54 = arith.constant 240 : i32
    %add3A_55 = arith.addi %mul3A_35, %add3A_54 : i32
    %dma_start3A_56 = arith.constant 0 : i32
    %dma_start3A_57 = tpu.memref_slice %arg15[%add3A_55, %dma_start3A_56] : memref<10000x128xf32, #tpu.memory_space<vmem_shared>> -> memref<80x128xf32, #tpu.memory_space<vmem_shared>>
    %dma_start3A_58 = arith.constant 0 : i32
    %dma_start3A_59 = tpu.memref_slice %arg15[%add3A_55, %dma_start3A_58] : memref<10000x128xf32, #tpu.memory_space<vmem_shared>> -> memref<80x128xf32, #tpu.memory_space<vmem_shared>>
    tpu.enqueue_dma source(%arg13 : memref<80x128xf32, #tpu.memory_space<vmem>>) target(%dma_start3A_59 : memref<80x128xf32, #tpu.memory_space<vmem_shared>>) target_semaphore(%arg19 : memref<!tpu.dma_semaphore, #tpu.memory_space<semaphore_mem>>)
    %add3A_60 = arith.constant 320 : i32
    %add3A_61 = arith.addi %mul3A_35, %add3A_60 : i32
    %dma_start3A_62 = arith.constant 0 : i32
    %dma_start3A_63 = tpu.memref_slice %arg15[%add3A_61, %dma_start3A_62] : memref<10000x128xf32, #tpu.memory_space<vmem_shared>> -> memref<80x128xf32, #tpu.memory_space<vmem_shared>>
    %dma_start3A_64 = arith.constant 0 : i32
    %dma_start3A_65 = tpu.memref_slice %arg15[%add3A_61, %dma_start3A_64] : memref<10000x128xf32, #tpu.memory_space<vmem_shared>> -> memref<80x128xf32, #tpu.memory_space<vmem_shared>>
    tpu.enqueue_dma source(%arg13 : memref<80x128xf32, #tpu.memory_space<vmem>>) target(%dma_start3A_65 : memref<80x128xf32, #tpu.memory_space<vmem_shared>>) target_semaphore(%arg19 : memref<!tpu.dma_semaphore, #tpu.memory_space<semaphore_mem>>)
    %add3A_66 = arith.constant 400 : i32
    %add3A_67 = arith.addi %mul3A_35, %add3A_66 : i32
    %dma_start3A_68 = arith.constant 0 : i32
    %dma_start3A_69 = tpu.memref_slice %arg15[%add3A_67, %dma_start3A_68] : memref<10000x128xf32, #tpu.memory_space<vmem_shared>> -> memref<80x128xf32, #tpu.memory_space<vmem_shared>>
    %dma_start3A_70 = arith.constant 0 : i32
    %dma_start3A_71 = tpu.memref_slice %arg15[%add3A_67, %dma_start3A_70] : memref<10000x128xf32, #tpu.memory_space<vmem_shared>> -> memref<80x128xf32, #tpu.memory_space<vmem_shared>>
    tpu.enqueue_dma source(%arg13 : memref<80x128xf32, #tpu.memory_space<vmem>>) target(%dma_start3A_71 : memref<80x128xf32, #tpu.memory_space<vmem_shared>>) target_semaphore(%arg19 : memref<!tpu.dma_semaphore, #tpu.memory_space<semaphore_mem>>)
    %add3A_72 = arith.constant 480 : i32
    %add3A_73 = arith.addi %mul3A_35, %add3A_72 : i32
    %dma_start3A_74 = arith.constant 0 : i32
    %dma_start3A_75 = tpu.memref_slice %arg15[%add3A_73, %dma_start3A_74] : memref<10000x128xf32, #tpu.memory_space<vmem_shared>> -> memref<80x128xf32, #tpu.memory_space<vmem_shared>>
    %dma_start3A_76 = arith.constant 0 : i32
    %dma_start3A_77 = tpu.memref_slice %arg15[%add3A_73, %dma_start3A_76] : memref<10000x128xf32, #tpu.memory_space<vmem_shared>> -> memref<80x128xf32, #tpu.memory_space<vmem_shared>>
    tpu.enqueue_dma source(%arg13 : memref<80x128xf32, #tpu.memory_space<vmem>>) target(%dma_start3A_77 : memref<80x128xf32, #tpu.memory_space<vmem_shared>>) target_semaphore(%arg19 : memref<!tpu.dma_semaphore, #tpu.memory_space<semaphore_mem>>)
    %add3A_78 = arith.constant 560 : i32
    %add3A_79 = arith.addi %mul3A_35, %add3A_78 : i32
    %dma_start3A_80 = arith.constant 0 : i32
    %dma_start3A_81 = arith.constant 0 : i32
    %dma_start3A_82 = tpu.memref_slice %arg13[%dma_start3A_80, %dma_start3A_81] : memref<80x128xf32, #tpu.memory_space<vmem>> -> memref<64x128xf32, #tpu.memory_space<vmem>>
    %dma_start3A_83 = arith.constant 0 : i32
    %dma_start3A_84 = tpu.memref_slice %arg15[%add3A_79, %dma_start3A_83] : memref<10000x128xf32, #tpu.memory_space<vmem_shared>> -> memref<64x128xf32, #tpu.memory_space<vmem_shared>>
    %dma_start3A_85 = arith.constant 0 : i32
    %dma_start3A_86 = tpu.memref_slice %arg15[%add3A_79, %dma_start3A_85] : memref<10000x128xf32, #tpu.memory_space<vmem_shared>> -> memref<64x128xf32, #tpu.memory_space<vmem_shared>>
    %dma_start3A_87 = arith.constant 0 : i32
    %dma_start3A_88 = arith.constant 0 : i32
    %dma_start3A_89 = tpu.memref_slice %arg13[%dma_start3A_87, %dma_start3A_88] : memref<80x128xf32, #tpu.memory_space<vmem>> -> memref<64x128xf32, #tpu.memory_space<vmem>>
    tpu.enqueue_dma source(%dma_start3A_89 : memref<64x128xf32, #tpu.memory_space<vmem>>) target(%dma_start3A_86 : memref<64x128xf32, #tpu.memory_space<vmem_shared>>) target_semaphore(%arg19 : memref<!tpu.dma_semaphore, #tpu.memory_space<semaphore_mem>>)
    %eq3A = arith.constant 15 : i32
    %eq3A_90 = arith.cmpi eq, %arg1, %eq3A : i32
    %convert_element_type3A = arith.extui %eq3A_90 : i1 to i32
    %cond3A = arith.constant 0 : i32
    %cond3A_91 = arith.cmpi ne, %convert_element_type3A, %cond3A : i32
    scf.if %cond3A_91 {
      "tpu.region"() ({
        %run_scoped3A = tpu.sem_alloc : memref<!tpu.dma_semaphore, #tpu.memory_space<semaphore_mem>>
        %dma_start3A_327 = arith.constant 0 : i32
        %dma_start3A_328 = arith.constant 0 : i32
        %dma_start3A_329 = tpu.memref_slice %arg13[%dma_start3A_327, %dma_start3A_328] : memref<80x128xf32, #tpu.memory_space<vmem>> -> memref<16x128xf32, #tpu.memory_space<vmem>>
        %dma_start3A_330 = arith.constant 9984 : i32
        %dma_start3A_331 = arith.constant 0 : i32
        %dma_start3A_332 = tpu.memref_slice %arg15[%dma_start3A_330, %dma_start3A_331] : memref<10000x128xf32, #tpu.memory_space<vmem_shared>> -> memref<16x128xf32, #tpu.memory_space<vmem_shared>>
        %dma_start3A_333 = arith.constant 9984 : i32
        %dma_start3A_334 = arith.constant 0 : i32
        %dma_start3A_335 = tpu.memref_slice %arg15[%dma_start3A_333, %dma_start3A_334] : memref<10000x128xf32, #tpu.memory_space<vmem_shared>> -> memref<16x128xf32, #tpu.memory_space<vmem_shared>>
        %dma_start3A_336 = arith.constant 0 : i32
        %dma_start3A_337 = arith.constant 0 : i32
        %dma_start3A_338 = tpu.memref_slice %arg13[%dma_start3A_336, %dma_start3A_337] : memref<80x128xf32, #tpu.memory_space<vmem>> -> memref<16x128xf32, #tpu.memory_space<vmem>>
        tpu.enqueue_dma source(%dma_start3A_338 : memref<16x128xf32, #tpu.memory_space<vmem>>) target(%dma_start3A_335 : memref<16x128xf32, #tpu.memory_space<vmem_shared>>) target_semaphore(%run_scoped3A : memref<!tpu.dma_semaphore, #tpu.memory_space<semaphore_mem>>)
        %dma_wait3A_339 = arith.constant 0 : i32
        %dma_wait3A_340 = arith.constant 0 : i32
        %dma_wait3A_341 = tpu.memref_slice %arg13[%dma_wait3A_339, %dma_wait3A_340] : memref<80x128xf32, #tpu.memory_space<vmem>> -> memref<16x128xf32, #tpu.memory_space<vmem>>
        %dma_wait3A_342 = arith.constant 9984 : i32
        %dma_wait3A_343 = arith.constant 0 : i32
        %dma_wait3A_344 = tpu.memref_slice %arg15[%dma_wait3A_342, %dma_wait3A_343] : memref<10000x128xf32, #tpu.memory_space<vmem_shared>> -> memref<16x128xf32, #tpu.memory_space<vmem_shared>>
        %dma_wait3A_345 = arith.constant 9984 : i32
        %dma_wait3A_346 = arith.constant 0 : i32
        %dma_wait3A_347 = tpu.memref_slice %arg15[%dma_wait3A_345, %dma_wait3A_346] : memref<10000x128xf32, #tpu.memory_space<vmem_shared>> -> memref<16x128xf32, #tpu.memory_space<vmem_shared>>
        %dma_wait3A_348 = arith.constant 0 : i32
        %dma_wait3A_349 = arith.constant 0 : i32
        %dma_wait3A_350 = tpu.memref_slice %arg13[%dma_wait3A_348, %dma_wait3A_349] : memref<80x128xf32, #tpu.memory_space<vmem>> -> memref<16x128xf32, #tpu.memory_space<vmem>>
        tpu.wait_dma2 semaphore(%run_scoped3A : memref<!tpu.dma_semaphore, #tpu.memory_space<semaphore_mem>>) src(%dma_wait3A_350 : memref<16x128xf32, #tpu.memory_space<vmem>>) dst(%dma_wait3A_347 : memref<16x128xf32, #tpu.memory_space<vmem_shared>>)
        tpu.yield
      }) : () -> ()
    } else {
    }
    %dma_wait3A_92 = arith.constant 0 : i32
    %dma_wait3A_93 = arith.constant 0 : i32
    %dma_wait3A_94 = tpu.memref_slice %arg2[%dma_wait3A_92, %dma_wait3A_93] : memref<10000x128xf32, #tpu.memory_space<hbm>> -> memref<80x128xf32, #tpu.memory_space<hbm>>
    %dma_wait3A_95 = arith.constant 0 : i32
    %dma_wait3A_96 = arith.constant 0 : i32
    %dma_wait3A_97 = tpu.memref_slice %arg2[%dma_wait3A_95, %dma_wait3A_96] : memref<10000x128xf32, #tpu.memory_space<hbm>> -> memref<80x128xf32, #tpu.memory_space<hbm>>
    tpu.wait_dma2 semaphore(%arg19 : memref<!tpu.dma_semaphore, #tpu.memory_space<semaphore_mem>>) src(%dma_wait3A_97 : memref<80x128xf32, #tpu.memory_space<hbm>>) dst(%arg13 : memref<80x128xf32, #tpu.memory_space<vmem>>)
    %dma_wait3A_98 = arith.constant 0 : i32
    %dma_wait3A_99 = arith.constant 0 : i32
    %dma_wait3A_100 = tpu.memref_slice %arg2[%dma_wait3A_98, %dma_wait3A_99] : memref<10000x128xf32, #tpu.memory_space<hbm>> -> memref<80x128xf32, #tpu.memory_space<hbm>>
    %dma_wait3A_101 = arith.constant 0 : i32
    %dma_wait3A_102 = arith.constant 0 : i32
    %dma_wait3A_103 = tpu.memref_slice %arg2[%dma_wait3A_101, %dma_wait3A_102] : memref<10000x128xf32, #tpu.memory_space<hbm>> -> memref<80x128xf32, #tpu.memory_space<hbm>>
    tpu.wait_dma2 semaphore(%arg19 : memref<!tpu.dma_semaphore, #tpu.memory_space<semaphore_mem>>) src(%dma_wait3A_103 : memref<80x128xf32, #tpu.memory_space<hbm>>) dst(%arg13 : memref<80x128xf32, #tpu.memory_space<vmem>>)
    %dma_wait3A_104 = arith.constant 0 : i32
    %dma_wait3A_105 = arith.constant 0 : i32
    %dma_wait3A_106 = tpu.memref_slice %arg2[%dma_wait3A_104, %dma_wait3A_105] : memref<10000x128xf32, #tpu.memory_space<hbm>> -> memref<80x128xf32, #tpu.memory_space<hbm>>
    %dma_wait3A_107 = arith.constant 0 : i32
    %dma_wait3A_108 = arith.constant 0 : i32
    %dma_wait3A_109 = tpu.memref_slice %arg2[%dma_wait3A_107, %dma_wait3A_108] : memref<10000x128xf32, #tpu.memory_space<hbm>> -> memref<80x128xf32, #tpu.memory_space<hbm>>
    tpu.wait_dma2 semaphore(%arg19 : memref<!tpu.dma_semaphore, #tpu.memory_space<semaphore_mem>>) src(%dma_wait3A_109 : memref<80x128xf32, #tpu.memory_space<hbm>>) dst(%arg13 : memref<80x128xf32, #tpu.memory_space<vmem>>)
    %dma_wait3A_110 = arith.constant 0 : i32
    %dma_wait3A_111 = arith.constant 0 : i32
    %dma_wait3A_112 = tpu.memref_slice %arg2[%dma_wait3A_110, %dma_wait3A_111] : memref<10000x128xf32, #tpu.memory_space<hbm>> -> memref<80x128xf32, #tpu.memory_space<hbm>>
    %dma_wait3A_113 = arith.constant 0 : i32
    %dma_wait3A_114 = arith.constant 0 : i32
    %dma_wait3A_115 = tpu.memref_slice %arg2[%dma_wait3A_113, %dma_wait3A_114] : memref<10000x128xf32, #tpu.memory_space<hbm>> -> memref<80x128xf32, #tpu.memory_space<hbm>>
    tpu.wait_dma2 semaphore(%arg19 : memref<!tpu.dma_semaphore, #tpu.memory_space<semaphore_mem>>) src(%dma_wait3A_115 : memref<80x128xf32, #tpu.memory_space<hbm>>) dst(%arg13 : memref<80x128xf32, #tpu.memory_space<vmem>>)
    %dma_wait3A_116 = arith.constant 0 : i32
    %dma_wait3A_117 = arith.constant 0 : i32
    %dma_wait3A_118 = tpu.memref_slice %arg2[%dma_wait3A_116, %dma_wait3A_117] : memref<10000x128xf32, #tpu.memory_space<hbm>> -> memref<80x128xf32, #tpu.memory_space<hbm>>
    %dma_wait3A_119 = arith.constant 0 : i32
    %dma_wait3A_120 = arith.constant 0 : i32
    %dma_wait3A_121 = tpu.memref_slice %arg2[%dma_wait3A_119, %dma_wait3A_120] : memref<10000x128xf32, #tpu.memory_space<hbm>> -> memref<80x128xf32, #tpu.memory_space<hbm>>
    tpu.wait_dma2 semaphore(%arg19 : memref<!tpu.dma_semaphore, #tpu.memory_space<semaphore_mem>>) src(%dma_wait3A_121 : memref<80x128xf32, #tpu.memory_space<hbm>>) dst(%arg13 : memref<80x128xf32, #tpu.memory_space<vmem>>)
    %dma_wait3A_122 = arith.constant 0 : i32
    %dma_wait3A_123 = arith.constant 0 : i32
    %dma_wait3A_124 = tpu.memref_slice %arg2[%dma_wait3A_122, %dma_wait3A_123] : memref<10000x128xf32, #tpu.memory_space<hbm>> -> memref<80x128xf32, #tpu.memory_space<hbm>>
    %dma_wait3A_125 = arith.constant 0 : i32
    %dma_wait3A_126 = arith.constant 0 : i32
    %dma_wait3A_127 = tpu.memref_slice %arg2[%dma_wait3A_125, %dma_wait3A_126] : memref<10000x128xf32, #tpu.memory_space<hbm>> -> memref<80x128xf32, #tpu.memory_space<hbm>>
    tpu.wait_dma2 semaphore(%arg19 : memref<!tpu.dma_semaphore, #tpu.memory_space<semaphore_mem>>) src(%dma_wait3A_127 : memref<80x128xf32, #tpu.memory_space<hbm>>) dst(%arg13 : memref<80x128xf32, #tpu.memory_space<vmem>>)
    %dma_wait3A_128 = arith.constant 0 : i32
    %dma_wait3A_129 = arith.constant 0 : i32
    %dma_wait3A_130 = tpu.memref_slice %arg2[%dma_wait3A_128, %dma_wait3A_129] : memref<10000x128xf32, #tpu.memory_space<hbm>> -> memref<80x128xf32, #tpu.memory_space<hbm>>
    %dma_wait3A_131 = arith.constant 0 : i32
    %dma_wait3A_132 = arith.constant 0 : i32
    %dma_wait3A_133 = tpu.memref_slice %arg2[%dma_wait3A_131, %dma_wait3A_132] : memref<10000x128xf32, #tpu.memory_space<hbm>> -> memref<80x128xf32, #tpu.memory_space<hbm>>
    tpu.wait_dma2 semaphore(%arg19 : memref<!tpu.dma_semaphore, #tpu.memory_space<semaphore_mem>>) src(%dma_wait3A_133 : memref<80x128xf32, #tpu.memory_space<hbm>>) dst(%arg13 : memref<80x128xf32, #tpu.memory_space<vmem>>)
    %dma_wait3A_134 = arith.constant 0 : i32
    %dma_wait3A_135 = arith.constant 0 : i32
    %dma_wait3A_136 = tpu.memref_slice %arg13[%dma_wait3A_134, %dma_wait3A_135] : memref<80x128xf32, #tpu.memory_space<vmem>> -> memref<64x128xf32, #tpu.memory_space<vmem>>
    %dma_wait3A_137 = arith.constant 0 : i32
    %dma_wait3A_138 = arith.constant 0 : i32
    %dma_wait3A_139 = tpu.memref_slice %arg2[%dma_wait3A_137, %dma_wait3A_138] : memref<10000x128xf32, #tpu.memory_space<hbm>> -> memref<64x128xf32, #tpu.memory_space<hbm>>
    %dma_wait3A_140 = arith.constant 0 : i32
    %dma_wait3A_141 = arith.constant 0 : i32
    %dma_wait3A_142 = tpu.memref_slice %arg13[%dma_wait3A_140, %dma_wait3A_141] : memref<80x128xf32, #tpu.memory_space<vmem>> -> memref<64x128xf32, #tpu.memory_space<vmem>>
    %dma_wait3A_143 = arith.constant 0 : i32
    %dma_wait3A_144 = arith.constant 0 : i32
    %dma_wait3A_145 = tpu.memref_slice %arg2[%dma_wait3A_143, %dma_wait3A_144] : memref<10000x128xf32, #tpu.memory_space<hbm>> -> memref<64x128xf32, #tpu.memory_space<hbm>>
    tpu.wait_dma2 semaphore(%arg19 : memref<!tpu.dma_semaphore, #tpu.memory_space<semaphore_mem>>) src(%dma_wait3A_145 : memref<64x128xf32, #tpu.memory_space<hbm>>) dst(%dma_wait3A_142 : memref<64x128xf32, #tpu.memory_space<vmem>>)
    %barrier3A = arith.constant 0 : index
    tpu.barrier barrier_id(%barrier3A)
    %dma_start3A_146 = arith.constant 0 : i32
    %dma_start3A_147 = tpu.memref_slice %arg7[%dma_start3A_146] : memref<480xi32, #tpu.memory_space<vmem>> -> memref<80xi32, #tpu.memory_space<vmem>>
    %dma_start3A_148 = arith.constant 0 : i32
    %dma_start3A_149 = arith.constant 0 : i32
    %dma_start3A_150 = tpu.memref_slice %arg15[%dma_start3A_148, %dma_start3A_149] : memref<10000x128xf32, #tpu.memory_space<vmem_shared>> -> memref<10000x128xf32, #tpu.memory_space<vmem_shared>>
    tpu.enqueue_indirect_dma source(%arg13 : memref<80x128xf32, #tpu.memory_space<vmem>>) target(%dma_start3A_150 : memref<10000x128xf32, #tpu.memory_space<vmem_shared>>) offsets(%dma_start3A_147 : memref<80xi32, #tpu.memory_space<vmem>>) semaphore(%arg21 : memref<!tpu.dma_semaphore, #tpu.memory_space<semaphore_mem>>) {add = true}
    %broadcast_in_dim3A = arith.constant 1.000000e+00 : f32
    %broadcast_in_dim3A_151 = vector.broadcast %broadcast_in_dim3A : f32 to vector<16xf32>
    %scan3A_152 = arith.constant 0 : i32
    %scan3A_153 = arith.constant 0 : i32
    %scan3A_154 = arith.constant 10 : i32
    %scan3A_155 = arith.addi %scan3A_153, %scan3A_154 : i32
    %scan3A_156 = arith.constant 1 : i32
    scf.for %scan3A_327 = %scan3A_153 to %scan3A_155 step %scan3A_156  : i32 {
      %dma_wait3A_328 = arith.constant 0 : i32
      %dma_wait3A_329 = arith.constant 0 : i32
      %dma_wait3A_330 = tpu.memref_slice %arg2[%dma_wait3A_328, %dma_wait3A_329] : memref<10000x128xf32, #tpu.memory_space<hbm>> -> memref<80x128xf32, #tpu.memory_space<hbm>>
      %dma_wait3A_331 = arith.constant 0 : i32
      %dma_wait3A_332 = arith.constant 0 : i32
      %dma_wait3A_333 = tpu.memref_slice %arg2[%dma_wait3A_331, %dma_wait3A_332] : memref<10000x128xf32, #tpu.memory_space<hbm>> -> memref<80x128xf32, #tpu.memory_space<hbm>>
      tpu.wait_dma2 semaphore(%arg16 : memref<!tpu.dma_semaphore, #tpu.memory_space<semaphore_mem>>) src(%dma_wait3A_333 : memref<80x128xf32, #tpu.memory_space<hbm>>) dst(%arg11 : memref<80x128xf32, #tpu.memory_space<vmem>>)
      %dma_wait3A_334 = arith.constant 0 : i32
      %dma_wait3A_335 = arith.constant 0 : i32
      %dma_wait3A_336 = tpu.memref_slice %arg2[%dma_wait3A_334, %dma_wait3A_335] : memref<10000x128xf32, #tpu.memory_space<hbm>> -> memref<80x128xf32, #tpu.memory_space<hbm>>
      %dma_wait3A_337 = arith.constant 0 : i32
      %dma_wait3A_338 = arith.constant 0 : i32
      %dma_wait3A_339 = tpu.memref_slice %arg2[%dma_wait3A_337, %dma_wait3A_338] : memref<10000x128xf32, #tpu.memory_space<hbm>> -> memref<80x128xf32, #tpu.memory_space<hbm>>
      tpu.wait_dma2 semaphore(%arg21 : memref<!tpu.dma_semaphore, #tpu.memory_space<semaphore_mem>>) src(%dma_wait3A_339 : memref<80x128xf32, #tpu.memory_space<hbm>>) dst(%arg13 : memref<80x128xf32, #tpu.memory_space<vmem>>)
      %mul3A_340 = arith.constant 960 : i32
      %mul3A_341 = arith.muli %scan3A_327, %mul3A_340 : i32
      %add3A_342 = arith.addi %mul3A_2, %mul3A_341 : i32
      %add3A_343 = arith.constant 480 : i32
      %add3A_344 = arith.addi %add3A_342, %add3A_343 : i32
      %dma_start3A_345 = tpu.memref_slice %arg3[%add3A_344] : memref<322560xi32, #tpu.memory_space<hbm>> -> memref<480xi32, #tpu.memory_space<hbm>>
      %dma_start3A_346 = tpu.memref_slice %arg3[%add3A_344] : memref<322560xi32, #tpu.memory_space<hbm>> -> memref<480xi32, #tpu.memory_space<hbm>>
      tpu.enqueue_dma source(%dma_start3A_346 : memref<480xi32, #tpu.memory_space<hbm>>) target(%arg9 : memref<480xi32, #tpu.memory_space<vmem>>) target_semaphore(%arg23 : memref<!tpu.dma_semaphore, #tpu.memory_space<semaphore_mem>>)
      %dma_start3A_347 = tpu.memref_slice %arg4[%add3A_344] : memref<322560xi32, #tpu.memory_space<hbm>> -> memref<480xi32, #tpu.memory_space<hbm>>
      %dma_start3A_348 = tpu.memref_slice %arg4[%add3A_344] : memref<322560xi32, #tpu.memory_space<hbm>> -> memref<480xi32, #tpu.memory_space<hbm>>
      tpu.enqueue_dma source(%dma_start3A_348 : memref<480xi32, #tpu.memory_space<hbm>>) target(%arg10 : memref<480xi32, #tpu.memory_space<vmem>>) target_semaphore(%arg23 : memref<!tpu.dma_semaphore, #tpu.memory_space<semaphore_mem>>)
      %dma_start3A_349 = arith.constant 160 : i32
      %dma_start3A_350 = tpu.memref_slice %arg8[%dma_start3A_349] : memref<480xi32, #tpu.memory_space<vmem>> -> memref<80xi32, #tpu.memory_space<vmem>>
      %dma_start3A_351 = arith.constant 0 : i32
      %dma_start3A_352 = arith.constant 0 : i32
      %dma_start3A_353 = tpu.memref_slice %arg2[%dma_start3A_351, %dma_start3A_352] : memref<10000x128xf32, #tpu.memory_space<hbm>> -> memref<10000x128xf32, #tpu.memory_space<hbm>>
      tpu.enqueue_indirect_dma source(%dma_start3A_353 : memref<10000x128xf32, #tpu.memory_space<hbm>>) target(%arg13 : memref<80x128xf32, #tpu.memory_space<vmem>>) offsets(%dma_start3A_350 : memref<80xi32, #tpu.memory_space<vmem>>) semaphore(%arg18 : memref<!tpu.dma_semaphore, #tpu.memory_space<semaphore_mem>>)
      %dma_start3A_354 = arith.constant 0 : i32
      %dma_start3A_355 = tpu.memref_slice %arg7[%dma_start3A_354] : memref<480xi32, #tpu.memory_space<vmem>> -> memref<80xi32, #tpu.memory_space<vmem>>
      %dma_start3A_356 = arith.constant 0 : i32
      %dma_start3A_357 = arith.constant 0 : i32
      %dma_start3A_358 = tpu.memref_slice %arg15[%dma_start3A_356, %dma_start3A_357] : memref<10000x128xf32, #tpu.memory_space<vmem_shared>> -> memref<10000x128xf32, #tpu.memory_space<vmem_shared>>
      tpu.enqueue_indirect_dma source(%arg11 : memref<80x128xf32, #tpu.memory_space<vmem>>) target(%dma_start3A_358 : memref<10000x128xf32, #tpu.memory_space<vmem_shared>>) offsets(%dma_start3A_355 : memref<80xi32, #tpu.memory_space<vmem>>) semaphore(%arg19 : memref<!tpu.dma_semaphore, #tpu.memory_space<semaphore_mem>>) {add = true}
      %get3A_359 = arith.constant 0 : index
      %get3A_360 = tpu.vector_load %arg7[%get3A_359] {strides = array<i32>} : memref<480xi32, #tpu.memory_space<vmem>>, vector<16xi32>,
      tpu.vector_store_idx %arg14[%get3A_360], %broadcast_in_dim3A_151 {add = true} : memref<10000xf32, #tpu.memory_space<vmem>>[vector<16xi32>], vector<16xf32>,
      %get3A_361 = arith.constant 16 : index
      %get3A_362 = tpu.vector_load %arg7[%get3A_361] {strides = array<i32>} : memref<480xi32, #tpu.memory_space<vmem>>, vector<16xi32>,
      tpu.vector_store_idx %arg14[%get3A_362], %broadcast_in_dim3A_151 {add = true} : memref<10000xf32, #tpu.memory_space<vmem>>[vector<16xi32>], vector<16xf32>,
      %get3A_363 = arith.constant 32 : index
      %get3A_364 = tpu.vector_load %arg7[%get3A_363] {strides = array<i32>} : memref<480xi32, #tpu.memory_space<vmem>>, vector<16xi32>,
      tpu.vector_store_idx %arg14[%get3A_364], %broadcast_in_dim3A_151 {add = true} : memref<10000xf32, #tpu.memory_space<vmem>>[vector<16xi32>], vector<16xf32>,
      %get3A_365 = arith.constant 48 : index
      %get3A_366 = tpu.vector_load %arg7[%get3A_365] {strides = array<i32>} : memref<480xi32, #tpu.memory_space<vmem>>, vector<16xi32>,
      tpu.vector_store_idx %arg14[%get3A_366], %broadcast_in_dim3A_151 {add = true} : memref<10000xf32, #tpu.memory_space<vmem>>[vector<16xi32>], vector<16xf32>,
      %get3A_367 = arith.constant 64 : index
      %get3A_368 = tpu.vector_load %arg7[%get3A_367] {strides = array<i32>} : memref<480xi32, #tpu.memory_space<vmem>>, vector<16xi32>,
      tpu.vector_store_idx %arg14[%get3A_368], %broadcast_in_dim3A_151 {add = true} : memref<10000xf32, #tpu.memory_space<vmem>>[vector<16xi32>], vector<16xf32>,
      %dma_wait3A_369 = arith.constant 0 : i32
      %dma_wait3A_370 = arith.constant 0 : i32
      %dma_wait3A_371 = tpu.memref_slice %arg2[%dma_wait3A_369, %dma_wait3A_370] : memref<10000x128xf32, #tpu.memory_space<hbm>> -> memref<80x128xf32, #tpu.memory_space<hbm>>
      %dma_wait3A_372 = arith.constant 0 : i32
      %dma_wait3A_373 = arith.constant 0 : i32
      %dma_wait3A_374 = tpu.memref_slice %arg2[%dma_wait3A_372, %dma_wait3A_373] : memref<10000x128xf32, #tpu.memory_space<hbm>> -> memref<80x128xf32, #tpu.memory_space<hbm>>
      tpu.wait_dma2 semaphore(%arg17 : memref<!tpu.dma_semaphore, #tpu.memory_space<semaphore_mem>>) src(%dma_wait3A_374 : memref<80x128xf32, #tpu.memory_space<hbm>>) dst(%arg12 : memref<80x128xf32, #tpu.memory_space<vmem>>)
      %dma_wait3A_375 = arith.constant 0 : i32
      %dma_wait3A_376 = arith.constant 0 : i32
      %dma_wait3A_377 = tpu.memref_slice %arg2[%dma_wait3A_375, %dma_wait3A_376] : memref<10000x128xf32, #tpu.memory_space<hbm>> -> memref<80x128xf32, #tpu.memory_space<hbm>>
      %dma_wait3A_378 = arith.constant 0 : i32
      %dma_wait3A_379 = arith.constant 0 : i32
      %dma_wait3A_380 = tpu.memref_slice %arg2[%dma_wait3A_378, %dma_wait3A_379] : memref<10000x128xf32, #tpu.memory_space<hbm>> -> memref<80x128xf32, #tpu.memory_space<hbm>>
      tpu.wait_dma2 semaphore(%arg19 : memref<!tpu.dma_semaphore, #tpu.memory_space<semaphore_mem>>) src(%dma_wait3A_380 : memref<80x128xf32, #tpu.memory_space<hbm>>) dst(%arg11 : memref<80x128xf32, #tpu.memory_space<vmem>>)
      %dma_start3A_381 = arith.constant 240 : i32
      %dma_start3A_382 = tpu.memref_slice %arg8[%dma_start3A_381] : memref<480xi32, #tpu.memory_space<vmem>> -> memref<80xi32, #tpu.memory_space<vmem>>
      %dma_start3A_383 = arith.constant 0 : i32
      %dma_start3A_384 = arith.constant 0 : i32
      %dma_start3A_385 = tpu.memref_slice %arg2[%dma_start3A_383, %dma_start3A_384] : memref<10000x128xf32, #tpu.memory_space<hbm>> -> memref<10000x128xf32, #tpu.memory_space<hbm>>
      tpu.enqueue_indirect_dma source(%dma_start3A_385 : memref<10000x128xf32, #tpu.memory_space<hbm>>) target(%arg11 : memref<80x128xf32, #tpu.memory_space<vmem>>) offsets(%dma_start3A_382 : memref<80xi32, #tpu.memory_space<vmem>>) semaphore(%arg16 : memref<!tpu.dma_semaphore, #tpu.memory_space<semaphore_mem>>)
      %dma_start3A_386 = arith.constant 80 : i32
      %dma_start3A_387 = tpu.memref_slice %arg7[%dma_start3A_386] : memref<480xi32, #tpu.memory_space<vmem>> -> memref<80xi32, #tpu.memory_space<vmem>>
      %dma_start3A_388 = arith.constant 0 : i32
      %dma_start3A_389 = arith.constant 0 : i32
      %dma_start3A_390 = tpu.memref_slice %arg15[%dma_start3A_388, %dma_start3A_389] : memref<10000x128xf32, #tpu.memory_space<vmem_shared>> -> memref<10000x128xf32, #tpu.memory_space<vmem_shared>>
      tpu.enqueue_indirect_dma source(%arg12 : memref<80x128xf32, #tpu.memory_space<vmem>>) target(%dma_start3A_390 : memref<10000x128xf32, #tpu.memory_space<vmem_shared>>) offsets(%dma_start3A_387 : memref<80xi32, #tpu.memory_space<vmem>>) semaphore(%arg20 : memref<!tpu.dma_semaphore, #tpu.memory_space<semaphore_mem>>) {add = true}
      %get3A_391 = arith.constant 80 : index
      %get3A_392 = tpu.vector_load %arg7[%get3A_391] {strides = array<i32>} : memref<480xi32, #tpu.memory_space<vmem>>, vector<16xi32>,
      tpu.vector_store_idx %arg14[%get3A_392], %broadcast_in_dim3A_151 {add = true} : memref<10000xf32, #tpu.memory_space<vmem>>[vector<16xi32>], vector<16xf32>,
      %get3A_393 = arith.constant 96 : index
      %get3A_394 = tpu.vector_load %arg7[%get3A_393] {strides = array<i32>} : memref<480xi32, #tpu.memory_space<vmem>>, vector<16xi32>,
      tpu.vector_store_idx %arg14[%get3A_394], %broadcast_in_dim3A_151 {add = true} : memref<10000xf32, #tpu.memory_space<vmem>>[vector<16xi32>], vector<16xf32>,
      %get3A_395 = arith.constant 112 : index
      %get3A_396 = tpu.vector_load %arg7[%get3A_395] {strides = array<i32>} : memref<480xi32, #tpu.memory_space<vmem>>, vector<16xi32>,
      tpu.vector_store_idx %arg14[%get3A_396], %broadcast_in_dim3A_151 {add = true} : memref<10000xf32, #tpu.memory_space<vmem>>[vector<16xi32>], vector<16xf32>,
      %get3A_397 = arith.constant 128 : index
      %get3A_398 = tpu.vector_load %arg7[%get3A_397] {strides = array<i32>} : memref<480xi32, #tpu.memory_space<vmem>>, vector<16xi32>,
      tpu.vector_store_idx %arg14[%get3A_398], %broadcast_in_dim3A_151 {add = true} : memref<10000xf32, #tpu.memory_space<vmem>>[vector<16xi32>], vector<16xf32>,
      %get3A_399 = arith.constant 144 : index
      %get3A_400 = tpu.vector_load %arg7[%get3A_399] {strides = array<i32>} : memref<480xi32, #tpu.memory_space<vmem>>, vector<16xi32>,
      tpu.vector_store_idx %arg14[%get3A_400], %broadcast_in_dim3A_151 {add = true} : memref<10000xf32, #tpu.memory_space<vmem>>[vector<16xi32>], vector<16xf32>,
      %dma_wait3A_401 = arith.constant 0 : i32
      %dma_wait3A_402 = arith.constant 0 : i32
      %dma_wait3A_403 = tpu.memref_slice %arg2[%dma_wait3A_401, %dma_wait3A_402] : memref<10000x128xf32, #tpu.memory_space<hbm>> -> memref<80x128xf32, #tpu.memory_space<hbm>>
      %dma_wait3A_404 = arith.constant 0 : i32
      %dma_wait3A_405 = arith.constant 0 : i32
      %dma_wait3A_406 = tpu.memref_slice %arg2[%dma_wait3A_404, %dma_wait3A_405] : memref<10000x128xf32, #tpu.memory_space<hbm>> -> memref<80x128xf32, #tpu.memory_space<hbm>>
      tpu.wait_dma2 semaphore(%arg18 : memref<!tpu.dma_semaphore, #tpu.memory_space<semaphore_mem>>) src(%dma_wait3A_406 : memref<80x128xf32, #tpu.memory_space<hbm>>) dst(%arg13 : memref<80x128xf32, #tpu.memory_space<vmem>>)
      %dma_wait3A_407 = arith.constant 0 : i32
      %dma_wait3A_408 = arith.constant 0 : i32
      %dma_wait3A_409 = tpu.memref_slice %arg2[%dma_wait3A_407, %dma_wait3A_408] : memref<10000x128xf32, #tpu.memory_space<hbm>> -> memref<80x128xf32, #tpu.memory_space<hbm>>
      %dma_wait3A_410 = arith.constant 0 : i32
      %dma_wait3A_411 = arith.constant 0 : i32
      %dma_wait3A_412 = tpu.memref_slice %arg2[%dma_wait3A_410, %dma_wait3A_411] : memref<10000x128xf32, #tpu.memory_space<hbm>> -> memref<80x128xf32, #tpu.memory_space<hbm>>
      tpu.wait_dma2 semaphore(%arg20 : memref<!tpu.dma_semaphore, #tpu.memory_space<semaphore_mem>>) src(%dma_wait3A_412 : memref<80x128xf32, #tpu.memory_space<hbm>>) dst(%arg12 : memref<80x128xf32, #tpu.memory_space<vmem>>)
      %dma_start3A_413 = arith.constant 320 : i32
      %dma_start3A_414 = tpu.memref_slice %arg8[%dma_start3A_413] : memref<480xi32, #tpu.memory_space<vmem>> -> memref<80xi32, #tpu.memory_space<vmem>>
      %dma_start3A_415 = arith.constant 0 : i32
      %dma_start3A_416 = arith.constant 0 : i32
      %dma_start3A_417 = tpu.memref_slice %arg2[%dma_start3A_415, %dma_start3A_416] : memref<10000x128xf32, #tpu.memory_space<hbm>> -> memref<10000x128xf32, #tpu.memory_space<hbm>>
      tpu.enqueue_indirect_dma source(%dma_start3A_417 : memref<10000x128xf32, #tpu.memory_space<hbm>>) target(%arg12 : memref<80x128xf32, #tpu.memory_space<vmem>>) offsets(%dma_start3A_414 : memref<80xi32, #tpu.memory_space<vmem>>) semaphore(%arg17 : memref<!tpu.dma_semaphore, #tpu.memory_space<semaphore_mem>>)
      %dma_start3A_418 = arith.constant 160 : i32
      %dma_start3A_419 = tpu.memref_slice %arg7[%dma_start3A_418] : memref<480xi32, #tpu.memory_space<vmem>> -> memref<80xi32, #tpu.memory_space<vmem>>
      %dma_start3A_420 = arith.constant 0 : i32
      %dma_start3A_421 = arith.constant 0 : i32
      %dma_start3A_422 = tpu.memref_slice %arg15[%dma_start3A_420, %dma_start3A_421] : memref<10000x128xf32, #tpu.memory_space<vmem_shared>> -> memref<10000x128xf32, #tpu.memory_space<vmem_shared>>
      tpu.enqueue_indirect_dma source(%arg13 : memref<80x128xf32, #tpu.memory_space<vmem>>) target(%dma_start3A_422 : memref<10000x128xf32, #tpu.memory_space<vmem_shared>>) offsets(%dma_start3A_419 : memref<80xi32, #tpu.memory_space<vmem>>) semaphore(%arg21 : memref<!tpu.dma_semaphore, #tpu.memory_space<semaphore_mem>>) {add = true}
      %get3A_423 = arith.constant 160 : index
      %get3A_424 = tpu.vector_load %arg7[%get3A_423] {strides = array<i32>} : memref<480xi32, #tpu.memory_space<vmem>>, vector<16xi32>,
      tpu.vector_store_idx %arg14[%get3A_424], %broadcast_in_dim3A_151 {add = true} : memref<10000xf32, #tpu.memory_space<vmem>>[vector<16xi32>], vector<16xf32>,
      %get3A_425 = arith.constant 176 : index
      %get3A_426 = tpu.vector_load %arg7[%get3A_425] {strides = array<i32>} : memref<480xi32, #tpu.memory_space<vmem>>, vector<16xi32>,
      tpu.vector_store_idx %arg14[%get3A_426], %broadcast_in_dim3A_151 {add = true} : memref<10000xf32, #tpu.memory_space<vmem>>[vector<16xi32>], vector<16xf32>,
      %get3A_427 = arith.constant 192 : index
      %get3A_428 = tpu.vector_load %arg7[%get3A_427] {strides = array<i32>} : memref<480xi32, #tpu.memory_space<vmem>>, vector<16xi32>,
      tpu.vector_store_idx %arg14[%get3A_428], %broadcast_in_dim3A_151 {add = true} : memref<10000xf32, #tpu.memory_space<vmem>>[vector<16xi32>], vector<16xf32>,
      %get3A_429 = arith.constant 208 : index
      %get3A_430 = tpu.vector_load %arg7[%get3A_429] {strides = array<i32>} : memref<480xi32, #tpu.memory_space<vmem>>, vector<16xi32>,
      tpu.vector_store_idx %arg14[%get3A_430], %broadcast_in_dim3A_151 {add = true} : memref<10000xf32, #tpu.memory_space<vmem>>[vector<16xi32>], vector<16xf32>,
      %get3A_431 = arith.constant 224 : index
      %get3A_432 = tpu.vector_load %arg7[%get3A_431] {strides = array<i32>} : memref<480xi32, #tpu.memory_space<vmem>>, vector<16xi32>,
      tpu.vector_store_idx %arg14[%get3A_432], %broadcast_in_dim3A_151 {add = true} : memref<10000xf32, #tpu.memory_space<vmem>>[vector<16xi32>], vector<16xf32>,
      %dma_wait3A_433 = arith.constant 0 : i32
      %dma_wait3A_434 = arith.constant 0 : i32
      %dma_wait3A_435 = tpu.memref_slice %arg2[%dma_wait3A_433, %dma_wait3A_434] : memref<10000x128xf32, #tpu.memory_space<hbm>> -> memref<80x128xf32, #tpu.memory_space<hbm>>
      %dma_wait3A_436 = arith.constant 0 : i32
      %dma_wait3A_437 = arith.constant 0 : i32
      %dma_wait3A_438 = tpu.memref_slice %arg2[%dma_wait3A_436, %dma_wait3A_437] : memref<10000x128xf32, #tpu.memory_space<hbm>> -> memref<80x128xf32, #tpu.memory_space<hbm>>
      tpu.wait_dma2 semaphore(%arg16 : memref<!tpu.dma_semaphore, #tpu.memory_space<semaphore_mem>>) src(%dma_wait3A_438 : memref<80x128xf32, #tpu.memory_space<hbm>>) dst(%arg11 : memref<80x128xf32, #tpu.memory_space<vmem>>)
      %dma_wait3A_439 = arith.constant 0 : i32
      %dma_wait3A_440 = arith.constant 0 : i32
      %dma_wait3A_441 = tpu.memref_slice %arg2[%dma_wait3A_439, %dma_wait3A_440] : memref<10000x128xf32, #tpu.memory_space<hbm>> -> memref<80x128xf32, #tpu.memory_space<hbm>>
      %dma_wait3A_442 = arith.constant 0 : i32
      %dma_wait3A_443 = arith.constant 0 : i32
      %dma_wait3A_444 = tpu.memref_slice %arg2[%dma_wait3A_442, %dma_wait3A_443] : memref<10000x128xf32, #tpu.memory_space<hbm>> -> memref<80x128xf32, #tpu.memory_space<hbm>>
      tpu.wait_dma2 semaphore(%arg21 : memref<!tpu.dma_semaphore, #tpu.memory_space<semaphore_mem>>) src(%dma_wait3A_444 : memref<80x128xf32, #tpu.memory_space<hbm>>) dst(%arg13 : memref<80x128xf32, #tpu.memory_space<vmem>>)
      %dma_start3A_445 = arith.constant 400 : i32
      %dma_start3A_446 = tpu.memref_slice %arg8[%dma_start3A_445] : memref<480xi32, #tpu.memory_space<vmem>> -> memref<80xi32, #tpu.memory_space<vmem>>
      %dma_start3A_447 = arith.constant 0 : i32
      %dma_start3A_448 = arith.constant 0 : i32
      %dma_start3A_449 = tpu.memref_slice %arg2[%dma_start3A_447, %dma_start3A_448] : memref<10000x128xf32, #tpu.memory_space<hbm>> -> memref<10000x128xf32, #tpu.memory_space<hbm>>
      tpu.enqueue_indirect_dma source(%dma_start3A_449 : memref<10000x128xf32, #tpu.memory_space<hbm>>) target(%arg13 : memref<80x128xf32, #tpu.memory_space<vmem>>) offsets(%dma_start3A_446 : memref<80xi32, #tpu.memory_space<vmem>>) semaphore(%arg18 : memref<!tpu.dma_semaphore, #tpu.memory_space<semaphore_mem>>)
      %dma_start3A_450 = arith.constant 240 : i32
      %dma_start3A_451 = tpu.memref_slice %arg7[%dma_start3A_450] : memref<480xi32, #tpu.memory_space<vmem>> -> memref<80xi32, #tpu.memory_space<vmem>>
      %dma_start3A_452 = arith.constant 0 : i32
      %dma_start3A_453 = arith.constant 0 : i32
      %dma_start3A_454 = tpu.memref_slice %arg15[%dma_start3A_452, %dma_start3A_453] : memref<10000x128xf32, #tpu.memory_space<vmem_shared>> -> memref<10000x128xf32, #tpu.memory_space<vmem_shared>>
      tpu.enqueue_indirect_dma source(%arg11 : memref<80x128xf32, #tpu.memory_space<vmem>>) target(%dma_start3A_454 : memref<10000x128xf32, #tpu.memory_space<vmem_shared>>) offsets(%dma_start3A_451 : memref<80xi32, #tpu.memory_space<vmem>>) semaphore(%arg19 : memref<!tpu.dma_semaphore, #tpu.memory_space<semaphore_mem>>) {add = true}
      %get3A_455 = arith.constant 240 : index
      %get3A_456 = tpu.vector_load %arg7[%get3A_455] {strides = array<i32>} : memref<480xi32, #tpu.memory_space<vmem>>, vector<16xi32>,
      tpu.vector_store_idx %arg14[%get3A_456], %broadcast_in_dim3A_151 {add = true} : memref<10000xf32, #tpu.memory_space<vmem>>[vector<16xi32>], vector<16xf32>,
      %get3A_457 = arith.constant 256 : index
      %get3A_458 = tpu.vector_load %arg7[%get3A_457] {strides = array<i32>} : memref<480xi32, #tpu.memory_space<vmem>>, vector<16xi32>,
      tpu.vector_store_idx %arg14[%get3A_458], %broadcast_in_dim3A_151 {add = true} : memref<10000xf32, #tpu.memory_space<vmem>>[vector<16xi32>], vector<16xf32>,
      %get3A_459 = arith.constant 272 : index
      %get3A_460 = tpu.vector_load %arg7[%get3A_459] {strides = array<i32>} : memref<480xi32, #tpu.memory_space<vmem>>, vector<16xi32>,
      tpu.vector_store_idx %arg14[%get3A_460], %broadcast_in_dim3A_151 {add = true} : memref<10000xf32, #tpu.memory_space<vmem>>[vector<16xi32>], vector<16xf32>,
      %get3A_461 = arith.constant 288 : index
      %get3A_462 = tpu.vector_load %arg7[%get3A_461] {strides = array<i32>} : memref<480xi32, #tpu.memory_space<vmem>>, vector<16xi32>,
      tpu.vector_store_idx %arg14[%get3A_462], %broadcast_in_dim3A_151 {add = true} : memref<10000xf32, #tpu.memory_space<vmem>>[vector<16xi32>], vector<16xf32>,
      %get3A_463 = arith.constant 304 : index
      %get3A_464 = tpu.vector_load %arg7[%get3A_463] {strides = array<i32>} : memref<480xi32, #tpu.memory_space<vmem>>, vector<16xi32>,
      tpu.vector_store_idx %arg14[%get3A_464], %broadcast_in_dim3A_151 {add = true} : memref<10000xf32, #tpu.memory_space<vmem>>[vector<16xi32>], vector<16xf32>,
      %dma_wait3A_465 = arith.constant 0 : i32
      %dma_wait3A_466 = arith.constant 0 : i32
      %dma_wait3A_467 = tpu.memref_slice %arg2[%dma_wait3A_465, %dma_wait3A_466] : memref<10000x128xf32, #tpu.memory_space<hbm>> -> memref<80x128xf32, #tpu.memory_space<hbm>>
      %dma_wait3A_468 = arith.constant 0 : i32
      %dma_wait3A_469 = arith.constant 0 : i32
      %dma_wait3A_470 = tpu.memref_slice %arg2[%dma_wait3A_468, %dma_wait3A_469] : memref<10000x128xf32, #tpu.memory_space<hbm>> -> memref<80x128xf32, #tpu.memory_space<hbm>>
      tpu.wait_dma2 semaphore(%arg17 : memref<!tpu.dma_semaphore, #tpu.memory_space<semaphore_mem>>) src(%dma_wait3A_470 : memref<80x128xf32, #tpu.memory_space<hbm>>) dst(%arg12 : memref<80x128xf32, #tpu.memory_space<vmem>>)
      %dma_wait3A_471 = arith.constant 0 : i32
      %dma_wait3A_472 = arith.constant 0 : i32
      %dma_wait3A_473 = tpu.memref_slice %arg2[%dma_wait3A_471, %dma_wait3A_472] : memref<10000x128xf32, #tpu.memory_space<hbm>> -> memref<80x128xf32, #tpu.memory_space<hbm>>
      %dma_wait3A_474 = arith.constant 0 : i32
      %dma_wait3A_475 = arith.constant 0 : i32
      %dma_wait3A_476 = tpu.memref_slice %arg2[%dma_wait3A_474, %dma_wait3A_475] : memref<10000x128xf32, #tpu.memory_space<hbm>> -> memref<80x128xf32, #tpu.memory_space<hbm>>
      tpu.wait_dma2 semaphore(%arg19 : memref<!tpu.dma_semaphore, #tpu.memory_space<semaphore_mem>>) src(%dma_wait3A_476 : memref<80x128xf32, #tpu.memory_space<hbm>>) dst(%arg11 : memref<80x128xf32, #tpu.memory_space<vmem>>)
      %dma_wait3A_477 = arith.constant 0 : i32
      %dma_wait3A_478 = tpu.memref_slice %arg3[%dma_wait3A_477] : memref<322560xi32, #tpu.memory_space<hbm>> -> memref<480xi32, #tpu.memory_space<hbm>>
      %dma_wait3A_479 = arith.constant 0 : i32
      %dma_wait3A_480 = tpu.memref_slice %arg3[%dma_wait3A_479] : memref<322560xi32, #tpu.memory_space<hbm>> -> memref<480xi32, #tpu.memory_space<hbm>>
      tpu.wait_dma2 semaphore(%arg23 : memref<!tpu.dma_semaphore, #tpu.memory_space<semaphore_mem>>) src(%dma_wait3A_480 : memref<480xi32, #tpu.memory_space<hbm>>) dst(%arg9 : memref<480xi32, #tpu.memory_space<vmem>>)
      %dma_wait3A_481 = arith.constant 0 : i32
      %dma_wait3A_482 = tpu.memref_slice %arg3[%dma_wait3A_481] : memref<322560xi32, #tpu.memory_space<hbm>> -> memref<480xi32, #tpu.memory_space<hbm>>
      %dma_wait3A_483 = arith.constant 0 : i32
      %dma_wait3A_484 = tpu.memref_slice %arg3[%dma_wait3A_483] : memref<322560xi32, #tpu.memory_space<hbm>> -> memref<480xi32, #tpu.memory_space<hbm>>
      tpu.wait_dma2 semaphore(%arg23 : memref<!tpu.dma_semaphore, #tpu.memory_space<semaphore_mem>>) src(%dma_wait3A_484 : memref<480xi32, #tpu.memory_space<hbm>>) dst(%arg10 : memref<480xi32, #tpu.memory_space<vmem>>)
      %dma_start3A_485 = arith.constant 0 : i32
      %dma_start3A_486 = tpu.memref_slice %arg10[%dma_start3A_485] : memref<480xi32, #tpu.memory_space<vmem>> -> memref<80xi32, #tpu.memory_space<vmem>>
      %dma_start3A_487 = arith.constant 0 : i32
      %dma_start3A_488 = arith.constant 0 : i32
      %dma_start3A_489 = tpu.memref_slice %arg2[%dma_start3A_487, %dma_start3A_488] : memref<10000x128xf32, #tpu.memory_space<hbm>> -> memref<10000x128xf32, #tpu.memory_space<hbm>>
      tpu.enqueue_indirect_dma source(%dma_start3A_489 : memref<10000x128xf32, #tpu.memory_space<hbm>>) target(%arg11 : memref<80x128xf32, #tpu.memory_space<vmem>>) offsets(%dma_start3A_486 : memref<80xi32, #tpu.memory_space<vmem>>) semaphore(%arg16 : memref<!tpu.dma_semaphore, #tpu.memory_space<semaphore_mem>>)
      %dma_start3A_490 = arith.constant 320 : i32
      %dma_start3A_491 = tpu.memref_slice %arg7[%dma_start3A_490] : memref<480xi32, #tpu.memory_space<vmem>> -> memref<80xi32, #tpu.memory_space<vmem>>
      %dma_start3A_492 = arith.constant 0 : i32
      %dma_start3A_493 = arith.constant 0 : i32
      %dma_start3A_494 = tpu.memref_slice %arg15[%dma_start3A_492, %dma_start3A_493] : memref<10000x128xf32, #tpu.memory_space<vmem_shared>> -> memref<10000x128xf32, #tpu.memory_space<vmem_shared>>
      tpu.enqueue_indirect_dma source(%arg12 : memref<80x128xf32, #tpu.memory_space<vmem>>) target(%dma_start3A_494 : memref<10000x128xf32, #tpu.memory_space<vmem_shared>>) offsets(%dma_start3A_491 : memref<80xi32, #tpu.memory_space<vmem>>) semaphore(%arg20 : memref<!tpu.dma_semaphore, #tpu.memory_space<semaphore_mem>>) {add = true}
      %get3A_495 = arith.constant 320 : index
      %get3A_496 = tpu.vector_load %arg7[%get3A_495] {strides = array<i32>} : memref<480xi32, #tpu.memory_space<vmem>>, vector<16xi32>,
      tpu.vector_store_idx %arg14[%get3A_496], %broadcast_in_dim3A_151 {add = true} : memref<10000xf32, #tpu.memory_space<vmem>>[vector<16xi32>], vector<16xf32>,
      %get3A_497 = arith.constant 336 : index
      %get3A_498 = tpu.vector_load %arg7[%get3A_497] {strides = array<i32>} : memref<480xi32, #tpu.memory_space<vmem>>, vector<16xi32>,
      tpu.vector_store_idx %arg14[%get3A_498], %broadcast_in_dim3A_151 {add = true} : memref<10000xf32, #tpu.memory_space<vmem>>[vector<16xi32>], vector<16xf32>,
      %get3A_499 = arith.constant 352 : index
      %get3A_500 = tpu.vector_load %arg7[%get3A_499] {strides = array<i32>} : memref<480xi32, #tpu.memory_space<vmem>>, vector<16xi32>,
      tpu.vector_store_idx %arg14[%get3A_500], %broadcast_in_dim3A_151 {add = true} : memref<10000xf32, #tpu.memory_space<vmem>>[vector<16xi32>], vector<16xf32>,
      %get3A_501 = arith.constant 368 : index
      %get3A_502 = tpu.vector_load %arg7[%get3A_501] {strides = array<i32>} : memref<480xi32, #tpu.memory_space<vmem>>, vector<16xi32>,
      tpu.vector_store_idx %arg14[%get3A_502], %broadcast_in_dim3A_151 {add = true} : memref<10000xf32, #tpu.memory_space<vmem>>[vector<16xi32>], vector<16xf32>,
      %get3A_503 = arith.constant 384 : index
      %get3A_504 = tpu.vector_load %arg7[%get3A_503] {strides = array<i32>} : memref<480xi32, #tpu.memory_space<vmem>>, vector<16xi32>,
      tpu.vector_store_idx %arg14[%get3A_504], %broadcast_in_dim3A_151 {add = true} : memref<10000xf32, #tpu.memory_space<vmem>>[vector<16xi32>], vector<16xf32>,
      %dma_wait3A_505 = arith.constant 0 : i32
      %dma_wait3A_506 = arith.constant 0 : i32
      %dma_wait3A_507 = tpu.memref_slice %arg2[%dma_wait3A_505, %dma_wait3A_506] : memref<10000x128xf32, #tpu.memory_space<hbm>> -> memref<80x128xf32, #tpu.memory_space<hbm>>
      %dma_wait3A_508 = arith.constant 0 : i32
      %dma_wait3A_509 = arith.constant 0 : i32
      %dma_wait3A_510 = tpu.memref_slice %arg2[%dma_wait3A_508, %dma_wait3A_509] : memref<10000x128xf32, #tpu.memory_space<hbm>> -> memref<80x128xf32, #tpu.memory_space<hbm>>
      tpu.wait_dma2 semaphore(%arg18 : memref<!tpu.dma_semaphore, #tpu.memory_space<semaphore_mem>>) src(%dma_wait3A_510 : memref<80x128xf32, #tpu.memory_space<hbm>>) dst(%arg13 : memref<80x128xf32, #tpu.memory_space<vmem>>)
      %dma_wait3A_511 = arith.constant 0 : i32
      %dma_wait3A_512 = arith.constant 0 : i32
      %dma_wait3A_513 = tpu.memref_slice %arg2[%dma_wait3A_511, %dma_wait3A_512] : memref<10000x128xf32, #tpu.memory_space<hbm>> -> memref<80x128xf32, #tpu.memory_space<hbm>>
      %dma_wait3A_514 = arith.constant 0 : i32
      %dma_wait3A_515 = arith.constant 0 : i32
      %dma_wait3A_516 = tpu.memref_slice %arg2[%dma_wait3A_514, %dma_wait3A_515] : memref<10000x128xf32, #tpu.memory_space<hbm>> -> memref<80x128xf32, #tpu.memory_space<hbm>>
      tpu.wait_dma2 semaphore(%arg20 : memref<!tpu.dma_semaphore, #tpu.memory_space<semaphore_mem>>) src(%dma_wait3A_516 : memref<80x128xf32, #tpu.memory_space<hbm>>) dst(%arg12 : memref<80x128xf32, #tpu.memory_space<vmem>>)
      %dma_start3A_517 = arith.constant 80 : i32
      %dma_start3A_518 = tpu.memref_slice %arg10[%dma_start3A_517] : memref<480xi32, #tpu.memory_space<vmem>> -> memref<80xi32, #tpu.memory_space<vmem>>
      %dma_start3A_519 = arith.constant 0 : i32
      %dma_start3A_520 = arith.constant 0 : i32
      %dma_start3A_521 = tpu.memref_slice %arg2[%dma_start3A_519, %dma_start3A_520] : memref<10000x128xf32, #tpu.memory_space<hbm>> -> memref<10000x128xf32, #tpu.memory_space<hbm>>
      tpu.enqueue_indirect_dma source(%dma_start3A_521 : memref<10000x128xf32, #tpu.memory_space<hbm>>) target(%arg12 : memref<80x128xf32, #tpu.memory_space<vmem>>) offsets(%dma_start3A_518 : memref<80xi32, #tpu.memory_space<vmem>>) semaphore(%arg17 : memref<!tpu.dma_semaphore, #tpu.memory_space<semaphore_mem>>)
      %dma_start3A_522 = arith.constant 400 : i32
      %dma_start3A_523 = tpu.memref_slice %arg7[%dma_start3A_522] : memref<480xi32, #tpu.memory_space<vmem>> -> memref<80xi32, #tpu.memory_space<vmem>>
      %dma_start3A_524 = arith.constant 0 : i32
      %dma_start3A_525 = arith.constant 0 : i32
      %dma_start3A_526 = tpu.memref_slice %arg15[%dma_start3A_524, %dma_start3A_525] : memref<10000x128xf32, #tpu.memory_space<vmem_shared>> -> memref<10000x128xf32, #tpu.memory_space<vmem_shared>>
      tpu.enqueue_indirect_dma source(%arg13 : memref<80x128xf32, #tpu.memory_space<vmem>>) target(%dma_start3A_526 : memref<10000x128xf32, #tpu.memory_space<vmem_shared>>) offsets(%dma_start3A_523 : memref<80xi32, #tpu.memory_space<vmem>>) semaphore(%arg21 : memref<!tpu.dma_semaphore, #tpu.memory_space<semaphore_mem>>) {add = true}
      %get3A_527 = arith.constant 400 : index
      %get3A_528 = tpu.vector_load %arg7[%get3A_527] {strides = array<i32>} : memref<480xi32, #tpu.memory_space<vmem>>, vector<16xi32>,
      tpu.vector_store_idx %arg14[%get3A_528], %broadcast_in_dim3A_151 {add = true} : memref<10000xf32, #tpu.memory_space<vmem>>[vector<16xi32>], vector<16xf32>,
      %get3A_529 = arith.constant 416 : index
      %get3A_530 = tpu.vector_load %arg7[%get3A_529] {strides = array<i32>} : memref<480xi32, #tpu.memory_space<vmem>>, vector<16xi32>,
      tpu.vector_store_idx %arg14[%get3A_530], %broadcast_in_dim3A_151 {add = true} : memref<10000xf32, #tpu.memory_space<vmem>>[vector<16xi32>], vector<16xf32>,
      %get3A_531 = arith.constant 432 : index
      %get3A_532 = tpu.vector_load %arg7[%get3A_531] {strides = array<i32>} : memref<480xi32, #tpu.memory_space<vmem>>, vector<16xi32>,
      tpu.vector_store_idx %arg14[%get3A_532], %broadcast_in_dim3A_151 {add = true} : memref<10000xf32, #tpu.memory_space<vmem>>[vector<16xi32>], vector<16xf32>,
      %get3A_533 = arith.constant 448 : index
      %get3A_534 = tpu.vector_load %arg7[%get3A_533] {strides = array<i32>} : memref<480xi32, #tpu.memory_space<vmem>>, vector<16xi32>,
      tpu.vector_store_idx %arg14[%get3A_534], %broadcast_in_dim3A_151 {add = true} : memref<10000xf32, #tpu.memory_space<vmem>>[vector<16xi32>], vector<16xf32>,
      %get3A_535 = arith.constant 464 : index
      %get3A_536 = tpu.vector_load %arg7[%get3A_535] {strides = array<i32>} : memref<480xi32, #tpu.memory_space<vmem>>, vector<16xi32>,
      tpu.vector_store_idx %arg14[%get3A_536], %broadcast_in_dim3A_151 {add = true} : memref<10000xf32, #tpu.memory_space<vmem>>[vector<16xi32>], vector<16xf32>,
      %dma_wait3A_537 = arith.constant 0 : i32
      %dma_wait3A_538 = arith.constant 0 : i32
      %dma_wait3A_539 = tpu.memref_slice %arg2[%dma_wait3A_537, %dma_wait3A_538] : memref<10000x128xf32, #tpu.memory_space<hbm>> -> memref<80x128xf32, #tpu.memory_space<hbm>>
      %dma_wait3A_540 = arith.constant 0 : i32
      %dma_wait3A_541 = arith.constant 0 : i32
      %dma_wait3A_542 = tpu.memref_slice %arg2[%dma_wait3A_540, %dma_wait3A_541] : memref<10000x128xf32, #tpu.memory_space<hbm>> -> memref<80x128xf32, #tpu.memory_space<hbm>>
      tpu.wait_dma2 semaphore(%arg16 : memref<!tpu.dma_semaphore, #tpu.memory_space<semaphore_mem>>) src(%dma_wait3A_542 : memref<80x128xf32, #tpu.memory_space<hbm>>) dst(%arg11 : memref<80x128xf32, #tpu.memory_space<vmem>>)
      %dma_wait3A_543 = arith.constant 0 : i32
      %dma_wait3A_544 = arith.constant 0 : i32
      %dma_wait3A_545 = tpu.memref_slice %arg2[%dma_wait3A_543, %dma_wait3A_544] : memref<10000x128xf32, #tpu.memory_space<hbm>> -> memref<80x128xf32, #tpu.memory_space<hbm>>
      %dma_wait3A_546 = arith.constant 0 : i32
      %dma_wait3A_547 = arith.constant 0 : i32
      %dma_wait3A_548 = tpu.memref_slice %arg2[%dma_wait3A_546, %dma_wait3A_547] : memref<10000x128xf32, #tpu.memory_space<hbm>> -> memref<80x128xf32, #tpu.memory_space<hbm>>
      tpu.wait_dma2 semaphore(%arg21 : memref<!tpu.dma_semaphore, #tpu.memory_space<semaphore_mem>>) src(%dma_wait3A_548 : memref<80x128xf32, #tpu.memory_space<hbm>>) dst(%arg13 : memref<80x128xf32, #tpu.memory_space<vmem>>)
      %add3A_549 = arith.constant 1 : i32
      %add3A_550 = arith.addi %scan3A_327, %add3A_549 : i32
      %mul3A_551 = arith.constant 960 : i32
      %mul3A_552 = arith.muli %add3A_550, %mul3A_551 : i32
      %add3A_553 = arith.addi %mul3A_2, %mul3A_552 : i32
      %dma_start3A_554 = tpu.memref_slice %arg3[%add3A_553] : memref<322560xi32, #tpu.memory_space<hbm>> -> memref<480xi32, #tpu.memory_space<hbm>>
      %dma_start3A_555 = tpu.memref_slice %arg3[%add3A_553] : memref<322560xi32, #tpu.memory_space<hbm>> -> memref<480xi32, #tpu.memory_space<hbm>>
      tpu.enqueue_dma source(%dma_start3A_555 : memref<480xi32, #tpu.memory_space<hbm>>) target(%arg7 : memref<480xi32, #tpu.memory_space<vmem>>) target_semaphore(%arg22 : memref<!tpu.dma_semaphore, #tpu.memory_space<semaphore_mem>>)
      %dma_start3A_556 = tpu.memref_slice %arg4[%add3A_553] : memref<322560xi32, #tpu.memory_space<hbm>> -> memref<480xi32, #tpu.memory_space<hbm>>
      %dma_start3A_557 = tpu.memref_slice %arg4[%add3A_553] : memref<322560xi32, #tpu.memory_space<hbm>> -> memref<480xi32, #tpu.memory_space<hbm>>
      tpu.enqueue_dma source(%dma_start3A_557 : memref<480xi32, #tpu.memory_space<hbm>>) target(%arg8 : memref<480xi32, #tpu.memory_space<vmem>>) target_semaphore(%arg22 : memref<!tpu.dma_semaphore, #tpu.memory_space<semaphore_mem>>)
      %dma_start3A_558 = arith.constant 160 : i32
      %dma_start3A_559 = tpu.memref_slice %arg10[%dma_start3A_558] : memref<480xi32, #tpu.memory_space<vmem>> -> memref<80xi32, #tpu.memory_space<vmem>>
      %dma_start3A_560 = arith.constant 0 : i32
      %dma_start3A_561 = arith.constant 0 : i32
      %dma_start3A_562 = tpu.memref_slice %arg2[%dma_start3A_560, %dma_start3A_561] : memref<10000x128xf32, #tpu.memory_space<hbm>> -> memref<10000x128xf32, #tpu.memory_space<hbm>>
      tpu.enqueue_indirect_dma source(%dma_start3A_562 : memref<10000x128xf32, #tpu.memory_space<hbm>>) target(%arg13 : memref<80x128xf32, #tpu.memory_space<vmem>>) offsets(%dma_start3A_559 : memref<80xi32, #tpu.memory_space<vmem>>) semaphore(%arg18 : memref<!tpu.dma_semaphore, #tpu.memory_space<semaphore_mem>>)
      %dma_start3A_563 = arith.constant 0 : i32
      %dma_start3A_564 = tpu.memref_slice %arg9[%dma_start3A_563] : memref<480xi32, #tpu.memory_space<vmem>> -> memref<80xi32, #tpu.memory_space<vmem>>
      %dma_start3A_565 = arith.constant 0 : i32
      %dma_start3A_566 = arith.constant 0 : i32
      %dma_start3A_567 = tpu.memref_slice %arg15[%dma_start3A_565, %dma_start3A_566] : memref<10000x128xf32, #tpu.memory_space<vmem_shared>> -> memref<10000x128xf32, #tpu.memory_space<vmem_shared>>
      tpu.enqueue_indirect_dma source(%arg11 : memref<80x128xf32, #tpu.memory_space<vmem>>) target(%dma_start3A_567 : memref<10000x128xf32, #tpu.memory_space<vmem_shared>>) offsets(%dma_start3A_564 : memref<80xi32, #tpu.memory_space<vmem>>) semaphore(%arg19 : memref<!tpu.dma_semaphore, #tpu.memory_space<semaphore_mem>>) {add = true}
      %get3A_568 = arith.constant 0 : index
      %get3A_569 = tpu.vector_load %arg9[%get3A_568] {strides = array<i32>} : memref<480xi32, #tpu.memory_space<vmem>>, vector<16xi32>,
      tpu.vector_store_idx %arg14[%get3A_569], %broadcast_in_dim3A_151 {add = true} : memref<10000xf32, #tpu.memory_space<vmem>>[vector<16xi32>], vector<16xf32>,
      %get3A_570 = arith.constant 16 : index
      %get3A_571 = tpu.vector_load %arg9[%get3A_570] {strides = array<i32>} : memref<480xi32, #tpu.memory_space<vmem>>, vector<16xi32>,
      tpu.vector_store_idx %arg14[%get3A_571], %broadcast_in_dim3A_151 {add = true} : memref<10000xf32, #tpu.memory_space<vmem>>[vector<16xi32>], vector<16xf32>,
      %get3A_572 = arith.constant 32 : index
      %get3A_573 = tpu.vector_load %arg9[%get3A_572] {strides = array<i32>} : memref<480xi32, #tpu.memory_space<vmem>>, vector<16xi32>,
      tpu.vector_store_idx %arg14[%get3A_573], %broadcast_in_dim3A_151 {add = true} : memref<10000xf32, #tpu.memory_space<vmem>>[vector<16xi32>], vector<16xf32>,
      %get3A_574 = arith.constant 48 : index
      %get3A_575 = tpu.vector_load %arg9[%get3A_574] {strides = array<i32>} : memref<480xi32, #tpu.memory_space<vmem>>, vector<16xi32>,
      tpu.vector_store_idx %arg14[%get3A_575], %broadcast_in_dim3A_151 {add = true} : memref<10000xf32, #tpu.memory_space<vmem>>[vector<16xi32>], vector<16xf32>,
      %get3A_576 = arith.constant 64 : index
      %get3A_577 = tpu.vector_load %arg9[%get3A_576] {strides = array<i32>} : memref<480xi32, #tpu.memory_space<vmem>>, vector<16xi32>,
      tpu.vector_store_idx %arg14[%get3A_577], %broadcast_in_dim3A_151 {add = true} : memref<10000xf32, #tpu.memory_space<vmem>>[vector<16xi32>], vector<16xf32>,
      %dma_wait3A_578 = arith.constant 0 : i32
      %dma_wait3A_579 = arith.constant 0 : i32
      %dma_wait3A_580 = tpu.memref_slice %arg2[%dma_wait3A_578, %dma_wait3A_579] : memref<10000x128xf32, #tpu.memory_space<hbm>> -> memref<80x128xf32, #tpu.memory_space<hbm>>
      %dma_wait3A_581 = arith.constant 0 : i32
      %dma_wait3A_582 = arith.constant 0 : i32
      %dma_wait3A_583 = tpu.memref_slice %arg2[%dma_wait3A_581, %dma_wait3A_582] : memref<10000x128xf32, #tpu.memory_space<hbm>> -> memref<80x128xf32, #tpu.memory_space<hbm>>
      tpu.wait_dma2 semaphore(%arg17 : memref<!tpu.dma_semaphore, #tpu.memory_space<semaphore_mem>>) src(%dma_wait3A_583 : memref<80x128xf32, #tpu.memory_space<hbm>>) dst(%arg12 : memref<80x128xf32, #tpu.memory_space<vmem>>)
      %dma_wait3A_584 = arith.constant 0 : i32
      %dma_wait3A_585 = arith.constant 0 : i32
      %dma_wait3A_586 = tpu.memref_slice %arg2[%dma_wait3A_584, %dma_wait3A_585] : memref<10000x128xf32, #tpu.memory_space<hbm>> -> memref<80x128xf32, #tpu.memory_space<hbm>>
      %dma_wait3A_587 = arith.constant 0 : i32
      %dma_wait3A_588 = arith.constant 0 : i32
      %dma_wait3A_589 = tpu.memref_slice %arg2[%dma_wait3A_587, %dma_wait3A_588] : memref<10000x128xf32, #tpu.memory_space<hbm>> -> memref<80x128xf32, #tpu.memory_space<hbm>>
      tpu.wait_dma2 semaphore(%arg19 : memref<!tpu.dma_semaphore, #tpu.memory_space<semaphore_mem>>) src(%dma_wait3A_589 : memref<80x128xf32, #tpu.memory_space<hbm>>) dst(%arg11 : memref<80x128xf32, #tpu.memory_space<vmem>>)
      %dma_start3A_590 = arith.constant 240 : i32
      %dma_start3A_591 = tpu.memref_slice %arg10[%dma_start3A_590] : memref<480xi32, #tpu.memory_space<vmem>> -> memref<80xi32, #tpu.memory_space<vmem>>
      %dma_start3A_592 = arith.constant 0 : i32
      %dma_start3A_593 = arith.constant 0 : i32
      %dma_start3A_594 = tpu.memref_slice %arg2[%dma_start3A_592, %dma_start3A_593] : memref<10000x128xf32, #tpu.memory_space<hbm>> -> memref<10000x128xf32, #tpu.memory_space<hbm>>
      tpu.enqueue_indirect_dma source(%dma_start3A_594 : memref<10000x128xf32, #tpu.memory_space<hbm>>) target(%arg11 : memref<80x128xf32, #tpu.memory_space<vmem>>) offsets(%dma_start3A_591 : memref<80xi32, #tpu.memory_space<vmem>>) semaphore(%arg16 : memref<!tpu.dma_semaphore, #tpu.memory_space<semaphore_mem>>)
      %dma_start3A_595 = arith.constant 80 : i32
      %dma_start3A_596 = tpu.memref_slice %arg9[%dma_start3A_595] : memref<480xi32, #tpu.memory_space<vmem>> -> memref<80xi32, #tpu.memory_space<vmem>>
      %dma_start3A_597 = arith.constant 0 : i32
      %dma_start3A_598 = arith.constant 0 : i32
      %dma_start3A_599 = tpu.memref_slice %arg15[%dma_start3A_597, %dma_start3A_598] : memref<10000x128xf32, #tpu.memory_space<vmem_shared>> -> memref<10000x128xf32, #tpu.memory_space<vmem_shared>>
      tpu.enqueue_indirect_dma source(%arg12 : memref<80x128xf32, #tpu.memory_space<vmem>>) target(%dma_start3A_599 : memref<10000x128xf32, #tpu.memory_space<vmem_shared>>) offsets(%dma_start3A_596 : memref<80xi32, #tpu.memory_space<vmem>>) semaphore(%arg20 : memref<!tpu.dma_semaphore, #tpu.memory_space<semaphore_mem>>) {add = true}
      %get3A_600 = arith.constant 80 : index
      %get3A_601 = tpu.vector_load %arg9[%get3A_600] {strides = array<i32>} : memref<480xi32, #tpu.memory_space<vmem>>, vector<16xi32>,
      tpu.vector_store_idx %arg14[%get3A_601], %broadcast_in_dim3A_151 {add = true} : memref<10000xf32, #tpu.memory_space<vmem>>[vector<16xi32>], vector<16xf32>,
      %get3A_602 = arith.constant 96 : index
      %get3A_603 = tpu.vector_load %arg9[%get3A_602] {strides = array<i32>} : memref<480xi32, #tpu.memory_space<vmem>>, vector<16xi32>,
      tpu.vector_store_idx %arg14[%get3A_603], %broadcast_in_dim3A_151 {add = true} : memref<10000xf32, #tpu.memory_space<vmem>>[vector<16xi32>], vector<16xf32>,
      %get3A_604 = arith.constant 112 : index
      %get3A_605 = tpu.vector_load %arg9[%get3A_604] {strides = array<i32>} : memref<480xi32, #tpu.memory_space<vmem>>, vector<16xi32>,
      tpu.vector_store_idx %arg14[%get3A_605], %broadcast_in_dim3A_151 {add = true} : memref<10000xf32, #tpu.memory_space<vmem>>[vector<16xi32>], vector<16xf32>,
      %get3A_606 = arith.constant 128 : index
      %get3A_607 = tpu.vector_load %arg9[%get3A_606] {strides = array<i32>} : memref<480xi32, #tpu.memory_space<vmem>>, vector<16xi32>,
      tpu.vector_store_idx %arg14[%get3A_607], %broadcast_in_dim3A_151 {add = true} : memref<10000xf32, #tpu.memory_space<vmem>>[vector<16xi32>], vector<16xf32>,
      %get3A_608 = arith.constant 144 : index
      %get3A_609 = tpu.vector_load %arg9[%get3A_608] {strides = array<i32>} : memref<480xi32, #tpu.memory_space<vmem>>, vector<16xi32>,
      tpu.vector_store_idx %arg14[%get3A_609], %broadcast_in_dim3A_151 {add = true} : memref<10000xf32, #tpu.memory_space<vmem>>[vector<16xi32>], vector<16xf32>,
      %dma_wait3A_610 = arith.constant 0 : i32
      %dma_wait3A_611 = arith.constant 0 : i32
      %dma_wait3A_612 = tpu.memref_slice %arg2[%dma_wait3A_610, %dma_wait3A_611] : memref<10000x128xf32, #tpu.memory_space<hbm>> -> memref<80x128xf32, #tpu.memory_space<hbm>>
      %dma_wait3A_613 = arith.constant 0 : i32
      %dma_wait3A_614 = arith.constant 0 : i32
      %dma_wait3A_615 = tpu.memref_slice %arg2[%dma_wait3A_613, %dma_wait3A_614] : memref<10000x128xf32, #tpu.memory_space<hbm>> -> memref<80x128xf32, #tpu.memory_space<hbm>>
      tpu.wait_dma2 semaphore(%arg18 : memref<!tpu.dma_semaphore, #tpu.memory_space<semaphore_mem>>) src(%dma_wait3A_615 : memref<80x128xf32, #tpu.memory_space<hbm>>) dst(%arg13 : memref<80x128xf32, #tpu.memory_space<vmem>>)
      %dma_wait3A_616 = arith.constant 0 : i32
      %dma_wait3A_617 = arith.constant 0 : i32
      %dma_wait3A_618 = tpu.memref_slice %arg2[%dma_wait3A_616, %dma_wait3A_617] : memref<10000x128xf32, #tpu.memory_space<hbm>> -> memref<80x128xf32, #tpu.memory_space<hbm>>
      %dma_wait3A_619 = arith.constant 0 : i32
      %dma_wait3A_620 = arith.constant 0 : i32
      %dma_wait3A_621 = tpu.memref_slice %arg2[%dma_wait3A_619, %dma_wait3A_620] : memref<10000x128xf32, #tpu.memory_space<hbm>> -> memref<80x128xf32, #tpu.memory_space<hbm>>
      tpu.wait_dma2 semaphore(%arg20 : memref<!tpu.dma_semaphore, #tpu.memory_space<semaphore_mem>>) src(%dma_wait3A_621 : memref<80x128xf32, #tpu.memory_space<hbm>>) dst(%arg12 : memref<80x128xf32, #tpu.memory_space<vmem>>)
      %dma_start3A_622 = arith.constant 320 : i32
      %dma_start3A_623 = tpu.memref_slice %arg10[%dma_start3A_622] : memref<480xi32, #tpu.memory_space<vmem>> -> memref<80xi32, #tpu.memory_space<vmem>>
      %dma_start3A_624 = arith.constant 0 : i32
      %dma_start3A_625 = arith.constant 0 : i32
      %dma_start3A_626 = tpu.memref_slice %arg2[%dma_start3A_624, %dma_start3A_625] : memref<10000x128xf32, #tpu.memory_space<hbm>> -> memref<10000x128xf32, #tpu.memory_space<hbm>>
      tpu.enqueue_indirect_dma source(%dma_start3A_626 : memref<10000x128xf32, #tpu.memory_space<hbm>>) target(%arg12 : memref<80x128xf32, #tpu.memory_space<vmem>>) offsets(%dma_start3A_623 : memref<80xi32, #tpu.memory_space<vmem>>) semaphore(%arg17 : memref<!tpu.dma_semaphore, #tpu.memory_space<semaphore_mem>>)
      %dma_start3A_627 = arith.constant 160 : i32
      %dma_start3A_628 = tpu.memref_slice %arg9[%dma_start3A_627] : memref<480xi32, #tpu.memory_space<vmem>> -> memref<80xi32, #tpu.memory_space<vmem>>
      %dma_start3A_629 = arith.constant 0 : i32
      %dma_start3A_630 = arith.constant 0 : i32
      %dma_start3A_631 = tpu.memref_slice %arg15[%dma_start3A_629, %dma_start3A_630] : memref<10000x128xf32, #tpu.memory_space<vmem_shared>> -> memref<10000x128xf32, #tpu.memory_space<vmem_shared>>
      tpu.enqueue_indirect_dma source(%arg13 : memref<80x128xf32, #tpu.memory_space<vmem>>) target(%dma_start3A_631 : memref<10000x128xf32, #tpu.memory_space<vmem_shared>>) offsets(%dma_start3A_628 : memref<80xi32, #tpu.memory_space<vmem>>) semaphore(%arg21 : memref<!tpu.dma_semaphore, #tpu.memory_space<semaphore_mem>>) {add = true}
      %get3A_632 = arith.constant 160 : index
      %get3A_633 = tpu.vector_load %arg9[%get3A_632] {strides = array<i32>} : memref<480xi32, #tpu.memory_space<vmem>>, vector<16xi32>,
      tpu.vector_store_idx %arg14[%get3A_633], %broadcast_in_dim3A_151 {add = true} : memref<10000xf32, #tpu.memory_space<vmem>>[vector<16xi32>], vector<16xf32>,
      %get3A_634 = arith.constant 176 : index
      %get3A_635 = tpu.vector_load %arg9[%get3A_634] {strides = array<i32>} : memref<480xi32, #tpu.memory_space<vmem>>, vector<16xi32>,
      tpu.vector_store_idx %arg14[%get3A_635], %broadcast_in_dim3A_151 {add = true} : memref<10000xf32, #tpu.memory_space<vmem>>[vector<16xi32>], vector<16xf32>,
      %get3A_636 = arith.constant 192 : index
      %get3A_637 = tpu.vector_load %arg9[%get3A_636] {strides = array<i32>} : memref<480xi32, #tpu.memory_space<vmem>>, vector<16xi32>,
      tpu.vector_store_idx %arg14[%get3A_637], %broadcast_in_dim3A_151 {add = true} : memref<10000xf32, #tpu.memory_space<vmem>>[vector<16xi32>], vector<16xf32>,
      %get3A_638 = arith.constant 208 : index
      %get3A_639 = tpu.vector_load %arg9[%get3A_638] {strides = array<i32>} : memref<480xi32, #tpu.memory_space<vmem>>, vector<16xi32>,
      tpu.vector_store_idx %arg14[%get3A_639], %broadcast_in_dim3A_151 {add = true} : memref<10000xf32, #tpu.memory_space<vmem>>[vector<16xi32>], vector<16xf32>,
      %get3A_640 = arith.constant 224 : index
      %get3A_641 = tpu.vector_load %arg9[%get3A_640] {strides = array<i32>} : memref<480xi32, #tpu.memory_space<vmem>>, vector<16xi32>,
      tpu.vector_store_idx %arg14[%get3A_641], %broadcast_in_dim3A_151 {add = true} : memref<10000xf32, #tpu.memory_space<vmem>>[vector<16xi32>], vector<16xf32>,
      %dma_wait3A_642 = arith.constant 0 : i32
      %dma_wait3A_643 = arith.constant 0 : i32
      %dma_wait3A_644 = tpu.memref_slice %arg2[%dma_wait3A_642, %dma_wait3A_643] : memref<10000x128xf32, #tpu.memory_space<hbm>> -> memref<80x128xf32, #tpu.memory_space<hbm>>
      %dma_wait3A_645 = arith.constant 0 : i32
      %dma_wait3A_646 = arith.constant 0 : i32
      %dma_wait3A_647 = tpu.memref_slice %arg2[%dma_wait3A_645, %dma_wait3A_646] : memref<10000x128xf32, #tpu.memory_space<hbm>> -> memref<80x128xf32, #tpu.memory_space<hbm>>
      tpu.wait_dma2 semaphore(%arg16 : memref<!tpu.dma_semaphore, #tpu.memory_space<semaphore_mem>>) src(%dma_wait3A_647 : memref<80x128xf32, #tpu.memory_space<hbm>>) dst(%arg11 : memref<80x128xf32, #tpu.memory_space<vmem>>)
      %dma_wait3A_648 = arith.constant 0 : i32
      %dma_wait3A_649 = arith.constant 0 : i32
      %dma_wait3A_650 = tpu.memref_slice %arg2[%dma_wait3A_648, %dma_wait3A_649] : memref<10000x128xf32, #tpu.memory_space<hbm>> -> memref<80x128xf32, #tpu.memory_space<hbm>>
      %dma_wait3A_651 = arith.constant 0 : i32
      %dma_wait3A_652 = arith.constant 0 : i32
      %dma_wait3A_653 = tpu.memref_slice %arg2[%dma_wait3A_651, %dma_wait3A_652] : memref<10000x128xf32, #tpu.memory_space<hbm>> -> memref<80x128xf32, #tpu.memory_space<hbm>>
      tpu.wait_dma2 semaphore(%arg21 : memref<!tpu.dma_semaphore, #tpu.memory_space<semaphore_mem>>) src(%dma_wait3A_653 : memref<80x128xf32, #tpu.memory_space<hbm>>) dst(%arg13 : memref<80x128xf32, #tpu.memory_space<vmem>>)
      %dma_start3A_654 = arith.constant 400 : i32
      %dma_start3A_655 = tpu.memref_slice %arg10[%dma_start3A_654] : memref<480xi32, #tpu.memory_space<vmem>> -> memref<80xi32, #tpu.memory_space<vmem>>
      %dma_start3A_656 = arith.constant 0 : i32
      %dma_start3A_657 = arith.constant 0 : i32
      %dma_start3A_658 = tpu.memref_slice %arg2[%dma_start3A_656, %dma_start3A_657] : memref<10000x128xf32, #tpu.memory_space<hbm>> -> memref<10000x128xf32, #tpu.memory_space<hbm>>
      tpu.enqueue_indirect_dma source(%dma_start3A_658 : memref<10000x128xf32, #tpu.memory_space<hbm>>) target(%arg13 : memref<80x128xf32, #tpu.memory_space<vmem>>) offsets(%dma_start3A_655 : memref<80xi32, #tpu.memory_space<vmem>>) semaphore(%arg18 : memref<!tpu.dma_semaphore, #tpu.memory_space<semaphore_mem>>)
      %dma_start3A_659 = arith.constant 240 : i32
      %dma_start3A_660 = tpu.memref_slice %arg9[%dma_start3A_659] : memref<480xi32, #tpu.memory_space<vmem>> -> memref<80xi32, #tpu.memory_space<vmem>>
      %dma_start3A_661 = arith.constant 0 : i32
      %dma_start3A_662 = arith.constant 0 : i32
      %dma_start3A_663 = tpu.memref_slice %arg15[%dma_start3A_661, %dma_start3A_662] : memref<10000x128xf32, #tpu.memory_space<vmem_shared>> -> memref<10000x128xf32, #tpu.memory_space<vmem_shared>>
      tpu.enqueue_indirect_dma source(%arg11 : memref<80x128xf32, #tpu.memory_space<vmem>>) target(%dma_start3A_663 : memref<10000x128xf32, #tpu.memory_space<vmem_shared>>) offsets(%dma_start3A_660 : memref<80xi32, #tpu.memory_space<vmem>>) semaphore(%arg19 : memref<!tpu.dma_semaphore, #tpu.memory_space<semaphore_mem>>) {add = true}
      %get3A_664 = arith.constant 240 : index
      %get3A_665 = tpu.vector_load %arg9[%get3A_664] {strides = array<i32>} : memref<480xi32, #tpu.memory_space<vmem>>, vector<16xi32>,
      tpu.vector_store_idx %arg14[%get3A_665], %broadcast_in_dim3A_151 {add = true} : memref<10000xf32, #tpu.memory_space<vmem>>[vector<16xi32>], vector<16xf32>,
      %get3A_666 = arith.constant 256 : index
      %get3A_667 = tpu.vector_load %arg9[%get3A_666] {strides = array<i32>} : memref<480xi32, #tpu.memory_space<vmem>>, vector<16xi32>,
      tpu.vector_store_idx %arg14[%get3A_667], %broadcast_in_dim3A_151 {add = true} : memref<10000xf32, #tpu.memory_space<vmem>>[vector<16xi32>], vector<16xf32>,
      %get3A_668 = arith.constant 272 : index
      %get3A_669 = tpu.vector_load %arg9[%get3A_668] {strides = array<i32>} : memref<480xi32, #tpu.memory_space<vmem>>, vector<16xi32>,
      tpu.vector_store_idx %arg14[%get3A_669], %broadcast_in_dim3A_151 {add = true} : memref<10000xf32, #tpu.memory_space<vmem>>[vector<16xi32>], vector<16xf32>,
      %get3A_670 = arith.constant 288 : index
      %get3A_671 = tpu.vector_load %arg9[%get3A_670] {strides = array<i32>} : memref<480xi32, #tpu.memory_space<vmem>>, vector<16xi32>,
      tpu.vector_store_idx %arg14[%get3A_671], %broadcast_in_dim3A_151 {add = true} : memref<10000xf32, #tpu.memory_space<vmem>>[vector<16xi32>], vector<16xf32>,
      %get3A_672 = arith.constant 304 : index
      %get3A_673 = tpu.vector_load %arg9[%get3A_672] {strides = array<i32>} : memref<480xi32, #tpu.memory_space<vmem>>, vector<16xi32>,
      tpu.vector_store_idx %arg14[%get3A_673], %broadcast_in_dim3A_151 {add = true} : memref<10000xf32, #tpu.memory_space<vmem>>[vector<16xi32>], vector<16xf32>,
      %dma_wait3A_674 = arith.constant 0 : i32
      %dma_wait3A_675 = arith.constant 0 : i32
      %dma_wait3A_676 = tpu.memref_slice %arg2[%dma_wait3A_674, %dma_wait3A_675] : memref<10000x128xf32, #tpu.memory_space<hbm>> -> memref<80x128xf32, #tpu.memory_space<hbm>>
      %dma_wait3A_677 = arith.constant 0 : i32
      %dma_wait3A_678 = arith.constant 0 : i32
      %dma_wait3A_679 = tpu.memref_slice %arg2[%dma_wait3A_677, %dma_wait3A_678] : memref<10000x128xf32, #tpu.memory_space<hbm>> -> memref<80x128xf32, #tpu.memory_space<hbm>>
      tpu.wait_dma2 semaphore(%arg17 : memref<!tpu.dma_semaphore, #tpu.memory_space<semaphore_mem>>) src(%dma_wait3A_679 : memref<80x128xf32, #tpu.memory_space<hbm>>) dst(%arg12 : memref<80x128xf32, #tpu.memory_space<vmem>>)
      %dma_wait3A_680 = arith.constant 0 : i32
      %dma_wait3A_681 = arith.constant 0 : i32
      %dma_wait3A_682 = tpu.memref_slice %arg2[%dma_wait3A_680, %dma_wait3A_681] : memref<10000x128xf32, #tpu.memory_space<hbm>> -> memref<80x128xf32, #tpu.memory_space<hbm>>
      %dma_wait3A_683 = arith.constant 0 : i32
      %dma_wait3A_684 = arith.constant 0 : i32
      %dma_wait3A_685 = tpu.memref_slice %arg2[%dma_wait3A_683, %dma_wait3A_684] : memref<10000x128xf32, #tpu.memory_space<hbm>> -> memref<80x128xf32, #tpu.memory_space<hbm>>
      tpu.wait_dma2 semaphore(%arg19 : memref<!tpu.dma_semaphore, #tpu.memory_space<semaphore_mem>>) src(%dma_wait3A_685 : memref<80x128xf32, #tpu.memory_space<hbm>>) dst(%arg11 : memref<80x128xf32, #tpu.memory_space<vmem>>)
      %dma_wait3A_686 = arith.constant 0 : i32
      %dma_wait3A_687 = tpu.memref_slice %arg3[%dma_wait3A_686] : memref<322560xi32, #tpu.memory_space<hbm>> -> memref<480xi32, #tpu.memory_space<hbm>>
      %dma_wait3A_688 = arith.constant 0 : i32
      %dma_wait3A_689 = tpu.memref_slice %arg3[%dma_wait3A_688] : memref<322560xi32, #tpu.memory_space<hbm>> -> memref<480xi32, #tpu.memory_space<hbm>>
      tpu.wait_dma2 semaphore(%arg22 : memref<!tpu.dma_semaphore, #tpu.memory_space<semaphore_mem>>) src(%dma_wait3A_689 : memref<480xi32, #tpu.memory_space<hbm>>) dst(%arg7 : memref<480xi32, #tpu.memory_space<vmem>>)
      %dma_wait3A_690 = arith.constant 0 : i32
      %dma_wait3A_691 = tpu.memref_slice %arg3[%dma_wait3A_690] : memref<322560xi32, #tpu.memory_space<hbm>> -> memref<480xi32, #tpu.memory_space<hbm>>
      %dma_wait3A_692 = arith.constant 0 : i32
      %dma_wait3A_693 = tpu.memref_slice %arg3[%dma_wait3A_692] : memref<322560xi32, #tpu.memory_space<hbm>> -> memref<480xi32, #tpu.memory_space<hbm>>
      tpu.wait_dma2 semaphore(%arg22 : memref<!tpu.dma_semaphore, #tpu.memory_space<semaphore_mem>>) src(%dma_wait3A_693 : memref<480xi32, #tpu.memory_space<hbm>>) dst(%arg8 : memref<480xi32, #tpu.memory_space<vmem>>)
      %dma_start3A_694 = arith.constant 0 : i32
      %dma_start3A_695 = tpu.memref_slice %arg8[%dma_start3A_694] : memref<480xi32, #tpu.memory_space<vmem>> -> memref<80xi32, #tpu.memory_space<vmem>>
      %dma_start3A_696 = arith.constant 0 : i32
      %dma_start3A_697 = arith.constant 0 : i32
      %dma_start3A_698 = tpu.memref_slice %arg2[%dma_start3A_696, %dma_start3A_697] : memref<10000x128xf32, #tpu.memory_space<hbm>> -> memref<10000x128xf32, #tpu.memory_space<hbm>>
      tpu.enqueue_indirect_dma source(%dma_start3A_698 : memref<10000x128xf32, #tpu.memory_space<hbm>>) target(%arg11 : memref<80x128xf32, #tpu.memory_space<vmem>>) offsets(%dma_start3A_695 : memref<80xi32, #tpu.memory_space<vmem>>) semaphore(%arg16 : memref<!tpu.dma_semaphore, #tpu.memory_space<semaphore_mem>>)
      %dma_start3A_699 = arith.constant 320 : i32
      %dma_start3A_700 = tpu.memref_slice %arg9[%dma_start3A_699] : memref<480xi32, #tpu.memory_space<vmem>> -> memref<80xi32, #tpu.memory_space<vmem>>
      %dma_start3A_701 = arith.constant 0 : i32
      %dma_start3A_702 = arith.constant 0 : i32
      %dma_start3A_703 = tpu.memref_slice %arg15[%dma_start3A_701, %dma_start3A_702] : memref<10000x128xf32, #tpu.memory_space<vmem_shared>> -> memref<10000x128xf32, #tpu.memory_space<vmem_shared>>
      tpu.enqueue_indirect_dma source(%arg12 : memref<80x128xf32, #tpu.memory_space<vmem>>) target(%dma_start3A_703 : memref<10000x128xf32, #tpu.memory_space<vmem_shared>>) offsets(%dma_start3A_700 : memref<80xi32, #tpu.memory_space<vmem>>) semaphore(%arg20 : memref<!tpu.dma_semaphore, #tpu.memory_space<semaphore_mem>>) {add = true}
      %get3A_704 = arith.constant 320 : index
      %get3A_705 = tpu.vector_load %arg9[%get3A_704] {strides = array<i32>} : memref<480xi32, #tpu.memory_space<vmem>>, vector<16xi32>,
      tpu.vector_store_idx %arg14[%get3A_705], %broadcast_in_dim3A_151 {add = true} : memref<10000xf32, #tpu.memory_space<vmem>>[vector<16xi32>], vector<16xf32>,
      %get3A_706 = arith.constant 336 : index
      %get3A_707 = tpu.vector_load %arg9[%get3A_706] {strides = array<i32>} : memref<480xi32, #tpu.memory_space<vmem>>, vector<16xi32>,
      tpu.vector_store_idx %arg14[%get3A_707], %broadcast_in_dim3A_151 {add = true} : memref<10000xf32, #tpu.memory_space<vmem>>[vector<16xi32>], vector<16xf32>,
      %get3A_708 = arith.constant 352 : index
      %get3A_709 = tpu.vector_load %arg9[%get3A_708] {strides = array<i32>} : memref<480xi32, #tpu.memory_space<vmem>>, vector<16xi32>,
      tpu.vector_store_idx %arg14[%get3A_709], %broadcast_in_dim3A_151 {add = true} : memref<10000xf32, #tpu.memory_space<vmem>>[vector<16xi32>], vector<16xf32>,
      %get3A_710 = arith.constant 368 : index
      %get3A_711 = tpu.vector_load %arg9[%get3A_710] {strides = array<i32>} : memref<480xi32, #tpu.memory_space<vmem>>, vector<16xi32>,
      tpu.vector_store_idx %arg14[%get3A_711], %broadcast_in_dim3A_151 {add = true} : memref<10000xf32, #tpu.memory_space<vmem>>[vector<16xi32>], vector<16xf32>,
      %get3A_712 = arith.constant 384 : index
      %get3A_713 = tpu.vector_load %arg9[%get3A_712] {strides = array<i32>} : memref<480xi32, #tpu.memory_space<vmem>>, vector<16xi32>,
      tpu.vector_store_idx %arg14[%get3A_713], %broadcast_in_dim3A_151 {add = true} : memref<10000xf32, #tpu.memory_space<vmem>>[vector<16xi32>], vector<16xf32>,
      %dma_wait3A_714 = arith.constant 0 : i32
      %dma_wait3A_715 = arith.constant 0 : i32
      %dma_wait3A_716 = tpu.memref_slice %arg2[%dma_wait3A_714, %dma_wait3A_715] : memref<10000x128xf32, #tpu.memory_space<hbm>> -> memref<80x128xf32, #tpu.memory_space<hbm>>
      %dma_wait3A_717 = arith.constant 0 : i32
      %dma_wait3A_718 = arith.constant 0 : i32
      %dma_wait3A_719 = tpu.memref_slice %arg2[%dma_wait3A_717, %dma_wait3A_718] : memref<10000x128xf32, #tpu.memory_space<hbm>> -> memref<80x128xf32, #tpu.memory_space<hbm>>
      tpu.wait_dma2 semaphore(%arg18 : memref<!tpu.dma_semaphore, #tpu.memory_space<semaphore_mem>>) src(%dma_wait3A_719 : memref<80x128xf32, #tpu.memory_space<hbm>>) dst(%arg13 : memref<80x128xf32, #tpu.memory_space<vmem>>)
      %dma_wait3A_720 = arith.constant 0 : i32
      %dma_wait3A_721 = arith.constant 0 : i32
      %dma_wait3A_722 = tpu.memref_slice %arg2[%dma_wait3A_720, %dma_wait3A_721] : memref<10000x128xf32, #tpu.memory_space<hbm>> -> memref<80x128xf32, #tpu.memory_space<hbm>>
      %dma_wait3A_723 = arith.constant 0 : i32
      %dma_wait3A_724 = arith.constant 0 : i32
      %dma_wait3A_725 = tpu.memref_slice %arg2[%dma_wait3A_723, %dma_wait3A_724] : memref<10000x128xf32, #tpu.memory_space<hbm>> -> memref<80x128xf32, #tpu.memory_space<hbm>>
      tpu.wait_dma2 semaphore(%arg20 : memref<!tpu.dma_semaphore, #tpu.memory_space<semaphore_mem>>) src(%dma_wait3A_725 : memref<80x128xf32, #tpu.memory_space<hbm>>) dst(%arg12 : memref<80x128xf32, #tpu.memory_space<vmem>>)
      %dma_start3A_726 = arith.constant 80 : i32
      %dma_start3A_727 = tpu.memref_slice %arg8[%dma_start3A_726] : memref<480xi32, #tpu.memory_space<vmem>> -> memref<80xi32, #tpu.memory_space<vmem>>
      %dma_start3A_728 = arith.constant 0 : i32
      %dma_start3A_729 = arith.constant 0 : i32
      %dma_start3A_730 = tpu.memref_slice %arg2[%dma_start3A_728, %dma_start3A_729] : memref<10000x128xf32, #tpu.memory_space<hbm>> -> memref<10000x128xf32, #tpu.memory_space<hbm>>
      tpu.enqueue_indirect_dma source(%dma_start3A_730 : memref<10000x128xf32, #tpu.memory_space<hbm>>) target(%arg12 : memref<80x128xf32, #tpu.memory_space<vmem>>) offsets(%dma_start3A_727 : memref<80xi32, #tpu.memory_space<vmem>>) semaphore(%arg17 : memref<!tpu.dma_semaphore, #tpu.memory_space<semaphore_mem>>)
      %dma_start3A_731 = arith.constant 400 : i32
      %dma_start3A_732 = tpu.memref_slice %arg9[%dma_start3A_731] : memref<480xi32, #tpu.memory_space<vmem>> -> memref<80xi32, #tpu.memory_space<vmem>>
      %dma_start3A_733 = arith.constant 0 : i32
      %dma_start3A_734 = arith.constant 0 : i32
      %dma_start3A_735 = tpu.memref_slice %arg15[%dma_start3A_733, %dma_start3A_734] : memref<10000x128xf32, #tpu.memory_space<vmem_shared>> -> memref<10000x128xf32, #tpu.memory_space<vmem_shared>>
      tpu.enqueue_indirect_dma source(%arg13 : memref<80x128xf32, #tpu.memory_space<vmem>>) target(%dma_start3A_735 : memref<10000x128xf32, #tpu.memory_space<vmem_shared>>) offsets(%dma_start3A_732 : memref<80xi32, #tpu.memory_space<vmem>>) semaphore(%arg21 : memref<!tpu.dma_semaphore, #tpu.memory_space<semaphore_mem>>) {add = true}
      %get3A_736 = arith.constant 400 : index
      %get3A_737 = tpu.vector_load %arg9[%get3A_736] {strides = array<i32>} : memref<480xi32, #tpu.memory_space<vmem>>, vector<16xi32>,
      tpu.vector_store_idx %arg14[%get3A_737], %broadcast_in_dim3A_151 {add = true} : memref<10000xf32, #tpu.memory_space<vmem>>[vector<16xi32>], vector<16xf32>,
      %get3A_738 = arith.constant 416 : index
      %get3A_739 = tpu.vector_load %arg9[%get3A_738] {strides = array<i32>} : memref<480xi32, #tpu.memory_space<vmem>>, vector<16xi32>,
      tpu.vector_store_idx %arg14[%get3A_739], %broadcast_in_dim3A_151 {add = true} : memref<10000xf32, #tpu.memory_space<vmem>>[vector<16xi32>], vector<16xf32>,
      %get3A_740 = arith.constant 432 : index
      %get3A_741 = tpu.vector_load %arg9[%get3A_740] {strides = array<i32>} : memref<480xi32, #tpu.memory_space<vmem>>, vector<16xi32>,
      tpu.vector_store_idx %arg14[%get3A_741], %broadcast_in_dim3A_151 {add = true} : memref<10000xf32, #tpu.memory_space<vmem>>[vector<16xi32>], vector<16xf32>,
      %get3A_742 = arith.constant 448 : index
      %get3A_743 = tpu.vector_load %arg9[%get3A_742] {strides = array<i32>} : memref<480xi32, #tpu.memory_space<vmem>>, vector<16xi32>,
      tpu.vector_store_idx %arg14[%get3A_743], %broadcast_in_dim3A_151 {add = true} : memref<10000xf32, #tpu.memory_space<vmem>>[vector<16xi32>], vector<16xf32>,
      %get3A_744 = arith.constant 464 : index
      %get3A_745 = tpu.vector_load %arg9[%get3A_744] {strides = array<i32>} : memref<480xi32, #tpu.memory_space<vmem>>, vector<16xi32>,
      tpu.vector_store_idx %arg14[%get3A_745], %broadcast_in_dim3A_151 {add = true} : memref<10000xf32, #tpu.memory_space<vmem>>[vector<16xi32>], vector<16xf32>,
    }
    %scan3A_157 = arith.constant 10 : i32
    %dma_wait3A_158 = arith.constant 0 : i32
    %dma_wait3A_159 = arith.constant 0 : i32
    %dma_wait3A_160 = tpu.memref_slice %arg2[%dma_wait3A_158, %dma_wait3A_159] : memref<10000x128xf32, #tpu.memory_space<hbm>> -> memref<80x128xf32, #tpu.memory_space<hbm>>
    %dma_wait3A_161 = arith.constant 0 : i32
    %dma_wait3A_162 = arith.constant 0 : i32
    %dma_wait3A_163 = tpu.memref_slice %arg2[%dma_wait3A_161, %dma_wait3A_162] : memref<10000x128xf32, #tpu.memory_space<hbm>> -> memref<80x128xf32, #tpu.memory_space<hbm>>
    tpu.wait_dma2 semaphore(%arg16 : memref<!tpu.dma_semaphore, #tpu.memory_space<semaphore_mem>>) src(%dma_wait3A_163 : memref<80x128xf32, #tpu.memory_space<hbm>>) dst(%arg11 : memref<80x128xf32, #tpu.memory_space<vmem>>)
    %dma_wait3A_164 = arith.constant 0 : i32
    %dma_wait3A_165 = arith.constant 0 : i32
    %dma_wait3A_166 = tpu.memref_slice %arg2[%dma_wait3A_164, %dma_wait3A_165] : memref<10000x128xf32, #tpu.memory_space<hbm>> -> memref<80x128xf32, #tpu.memory_space<hbm>>
    %dma_wait3A_167 = arith.constant 0 : i32
    %dma_wait3A_168 = arith.constant 0 : i32
    %dma_wait3A_169 = tpu.memref_slice %arg2[%dma_wait3A_167, %dma_wait3A_168] : memref<10000x128xf32, #tpu.memory_space<hbm>> -> memref<80x128xf32, #tpu.memory_space<hbm>>
    tpu.wait_dma2 semaphore(%arg21 : memref<!tpu.dma_semaphore, #tpu.memory_space<semaphore_mem>>) src(%dma_wait3A_169 : memref<80x128xf32, #tpu.memory_space<hbm>>) dst(%arg13 : memref<80x128xf32, #tpu.memory_space<vmem>>)
    %dma_start3A_170 = arith.constant 160 : i32
    %dma_start3A_171 = tpu.memref_slice %arg8[%dma_start3A_170] : memref<480xi32, #tpu.memory_space<vmem>> -> memref<80xi32, #tpu.memory_space<vmem>>
    %dma_start3A_172 = arith.constant 0 : i32
    %dma_start3A_173 = arith.constant 0 : i32
    %dma_start3A_174 = tpu.memref_slice %arg2[%dma_start3A_172, %dma_start3A_173] : memref<10000x128xf32, #tpu.memory_space<hbm>> -> memref<10000x128xf32, #tpu.memory_space<hbm>>
    tpu.enqueue_indirect_dma source(%dma_start3A_174 : memref<10000x128xf32, #tpu.memory_space<hbm>>) target(%arg13 : memref<80x128xf32, #tpu.memory_space<vmem>>) offsets(%dma_start3A_171 : memref<80xi32, #tpu.memory_space<vmem>>) semaphore(%arg18 : memref<!tpu.dma_semaphore, #tpu.memory_space<semaphore_mem>>)
    %dma_start3A_175 = arith.constant 0 : i32
    %dma_start3A_176 = tpu.memref_slice %arg7[%dma_start3A_175] : memref<480xi32, #tpu.memory_space<vmem>> -> memref<80xi32, #tpu.memory_space<vmem>>
    %dma_start3A_177 = arith.constant 0 : i32
    %dma_start3A_178 = arith.constant 0 : i32
    %dma_start3A_179 = tpu.memref_slice %arg15[%dma_start3A_177, %dma_start3A_178] : memref<10000x128xf32, #tpu.memory_space<vmem_shared>> -> memref<10000x128xf32, #tpu.memory_space<vmem_shared>>
    tpu.enqueue_indirect_dma source(%arg11 : memref<80x128xf32, #tpu.memory_space<vmem>>) target(%dma_start3A_179 : memref<10000x128xf32, #tpu.memory_space<vmem_shared>>) offsets(%dma_start3A_176 : memref<80xi32, #tpu.memory_space<vmem>>) semaphore(%arg19 : memref<!tpu.dma_semaphore, #tpu.memory_space<semaphore_mem>>) {add = true}
    %get3A = arith.constant 0 : index
    %get3A_180 = tpu.vector_load %arg7[%get3A] {strides = array<i32>} : memref<480xi32, #tpu.memory_space<vmem>>, vector<16xi32>,
    tpu.vector_store_idx %arg14[%get3A_180], %broadcast_in_dim3A_151 {add = true} : memref<10000xf32, #tpu.memory_space<vmem>>[vector<16xi32>], vector<16xf32>,
    %get3A_181 = arith.constant 16 : index
    %get3A_182 = tpu.vector_load %arg7[%get3A_181] {strides = array<i32>} : memref<480xi32, #tpu.memory_space<vmem>>, vector<16xi32>,
    tpu.vector_store_idx %arg14[%get3A_182], %broadcast_in_dim3A_151 {add = true} : memref<10000xf32, #tpu.memory_space<vmem>>[vector<16xi32>], vector<16xf32>,
    %get3A_183 = arith.constant 32 : index
    %get3A_184 = tpu.vector_load %arg7[%get3A_183] {strides = array<i32>} : memref<480xi32, #tpu.memory_space<vmem>>, vector<16xi32>,
    tpu.vector_store_idx %arg14[%get3A_184], %broadcast_in_dim3A_151 {add = true} : memref<10000xf32, #tpu.memory_space<vmem>>[vector<16xi32>], vector<16xf32>,
    %get3A_185 = arith.constant 48 : index
    %get3A_186 = tpu.vector_load %arg7[%get3A_185] {strides = array<i32>} : memref<480xi32, #tpu.memory_space<vmem>>, vector<16xi32>,
    tpu.vector_store_idx %arg14[%get3A_186], %broadcast_in_dim3A_151 {add = true} : memref<10000xf32, #tpu.memory_space<vmem>>[vector<16xi32>], vector<16xf32>,
    %get3A_187 = arith.constant 64 : index
    %get3A_188 = tpu.vector_load %arg7[%get3A_187] {strides = array<i32>} : memref<480xi32, #tpu.memory_space<vmem>>, vector<16xi32>,
    tpu.vector_store_idx %arg14[%get3A_188], %broadcast_in_dim3A_151 {add = true} : memref<10000xf32, #tpu.memory_space<vmem>>[vector<16xi32>], vector<16xf32>,
    %dma_wait3A_189 = arith.constant 0 : i32
    %dma_wait3A_190 = arith.constant 0 : i32
    %dma_wait3A_191 = tpu.memref_slice %arg2[%dma_wait3A_189, %dma_wait3A_190] : memref<10000x128xf32, #tpu.memory_space<hbm>> -> memref<80x128xf32, #tpu.memory_space<hbm>>
    %dma_wait3A_192 = arith.constant 0 : i32
    %dma_wait3A_193 = arith.constant 0 : i32
    %dma_wait3A_194 = tpu.memref_slice %arg2[%dma_wait3A_192, %dma_wait3A_193] : memref<10000x128xf32, #tpu.memory_space<hbm>> -> memref<80x128xf32, #tpu.memory_space<hbm>>
    tpu.wait_dma2 semaphore(%arg17 : memref<!tpu.dma_semaphore, #tpu.memory_space<semaphore_mem>>) src(%dma_wait3A_194 : memref<80x128xf32, #tpu.memory_space<hbm>>) dst(%arg12 : memref<80x128xf32, #tpu.memory_space<vmem>>)
    %dma_wait3A_195 = arith.constant 0 : i32
    %dma_wait3A_196 = arith.constant 0 : i32
    %dma_wait3A_197 = tpu.memref_slice %arg2[%dma_wait3A_195, %dma_wait3A_196] : memref<10000x128xf32, #tpu.memory_space<hbm>> -> memref<80x128xf32, #tpu.memory_space<hbm>>
    %dma_wait3A_198 = arith.constant 0 : i32
    %dma_wait3A_199 = arith.constant 0 : i32
    %dma_wait3A_200 = tpu.memref_slice %arg2[%dma_wait3A_198, %dma_wait3A_199] : memref<10000x128xf32, #tpu.memory_space<hbm>> -> memref<80x128xf32, #tpu.memory_space<hbm>>
    tpu.wait_dma2 semaphore(%arg19 : memref<!tpu.dma_semaphore, #tpu.memory_space<semaphore_mem>>) src(%dma_wait3A_200 : memref<80x128xf32, #tpu.memory_space<hbm>>) dst(%arg11 : memref<80x128xf32, #tpu.memory_space<vmem>>)
    %dma_start3A_201 = arith.constant 240 : i32
    %dma_start3A_202 = tpu.memref_slice %arg8[%dma_start3A_201] : memref<480xi32, #tpu.memory_space<vmem>> -> memref<80xi32, #tpu.memory_space<vmem>>
    %dma_start3A_203 = arith.constant 0 : i32
    %dma_start3A_204 = arith.constant 0 : i32
    %dma_start3A_205 = tpu.memref_slice %arg2[%dma_start3A_203, %dma_start3A_204] : memref<10000x128xf32, #tpu.memory_space<hbm>> -> memref<10000x128xf32, #tpu.memory_space<hbm>>
    tpu.enqueue_indirect_dma source(%dma_start3A_205 : memref<10000x128xf32, #tpu.memory_space<hbm>>) target(%arg11 : memref<80x128xf32, #tpu.memory_space<vmem>>) offsets(%dma_start3A_202 : memref<80xi32, #tpu.memory_space<vmem>>) semaphore(%arg16 : memref<!tpu.dma_semaphore, #tpu.memory_space<semaphore_mem>>)
    %dma_start3A_206 = arith.constant 80 : i32
    %dma_start3A_207 = tpu.memref_slice %arg7[%dma_start3A_206] : memref<480xi32, #tpu.memory_space<vmem>> -> memref<80xi32, #tpu.memory_space<vmem>>
    %dma_start3A_208 = arith.constant 0 : i32
    %dma_start3A_209 = arith.constant 0 : i32
    %dma_start3A_210 = tpu.memref_slice %arg15[%dma_start3A_208, %dma_start3A_209] : memref<10000x128xf32, #tpu.memory_space<vmem_shared>> -> memref<10000x128xf32, #tpu.memory_space<vmem_shared>>
    tpu.enqueue_indirect_dma source(%arg12 : memref<80x128xf32, #tpu.memory_space<vmem>>) target(%dma_start3A_210 : memref<10000x128xf32, #tpu.memory_space<vmem_shared>>) offsets(%dma_start3A_207 : memref<80xi32, #tpu.memory_space<vmem>>) semaphore(%arg20 : memref<!tpu.dma_semaphore, #tpu.memory_space<semaphore_mem>>) {add = true}
    %get3A_211 = arith.constant 80 : index
    %get3A_212 = tpu.vector_load %arg7[%get3A_211] {strides = array<i32>} : memref<480xi32, #tpu.memory_space<vmem>>, vector<16xi32>,
    tpu.vector_store_idx %arg14[%get3A_212], %broadcast_in_dim3A_151 {add = true} : memref<10000xf32, #tpu.memory_space<vmem>>[vector<16xi32>], vector<16xf32>,
    %get3A_213 = arith.constant 96 : index
    %get3A_214 = tpu.vector_load %arg7[%get3A_213] {strides = array<i32>} : memref<480xi32, #tpu.memory_space<vmem>>, vector<16xi32>,
    tpu.vector_store_idx %arg14[%get3A_214], %broadcast_in_dim3A_151 {add = true} : memref<10000xf32, #tpu.memory_space<vmem>>[vector<16xi32>], vector<16xf32>,
    %get3A_215 = arith.constant 112 : index
    %get3A_216 = tpu.vector_load %arg7[%get3A_215] {strides = array<i32>} : memref<480xi32, #tpu.memory_space<vmem>>, vector<16xi32>,
    tpu.vector_store_idx %arg14[%get3A_216], %broadcast_in_dim3A_151 {add = true} : memref<10000xf32, #tpu.memory_space<vmem>>[vector<16xi32>], vector<16xf32>,
    %get3A_217 = arith.constant 128 : index
    %get3A_218 = tpu.vector_load %arg7[%get3A_217] {strides = array<i32>} : memref<480xi32, #tpu.memory_space<vmem>>, vector<16xi32>,
    tpu.vector_store_idx %arg14[%get3A_218], %broadcast_in_dim3A_151 {add = true} : memref<10000xf32, #tpu.memory_space<vmem>>[vector<16xi32>], vector<16xf32>,
    %get3A_219 = arith.constant 144 : index
    %get3A_220 = tpu.vector_load %arg7[%get3A_219] {strides = array<i32>} : memref<480xi32, #tpu.memory_space<vmem>>, vector<16xi32>,
    tpu.vector_store_idx %arg14[%get3A_220], %broadcast_in_dim3A_151 {add = true} : memref<10000xf32, #tpu.memory_space<vmem>>[vector<16xi32>], vector<16xf32>,
    %dma_wait3A_221 = arith.constant 0 : i32
    %dma_wait3A_222 = arith.constant 0 : i32
    %dma_wait3A_223 = tpu.memref_slice %arg2[%dma_wait3A_221, %dma_wait3A_222] : memref<10000x128xf32, #tpu.memory_space<hbm>> -> memref<80x128xf32, #tpu.memory_space<hbm>>
    %dma_wait3A_224 = arith.constant 0 : i32
    %dma_wait3A_225 = arith.constant 0 : i32
    %dma_wait3A_226 = tpu.memref_slice %arg2[%dma_wait3A_224, %dma_wait3A_225] : memref<10000x128xf32, #tpu.memory_space<hbm>> -> memref<80x128xf32, #tpu.memory_space<hbm>>
    tpu.wait_dma2 semaphore(%arg18 : memref<!tpu.dma_semaphore, #tpu.memory_space<semaphore_mem>>) src(%dma_wait3A_226 : memref<80x128xf32, #tpu.memory_space<hbm>>) dst(%arg13 : memref<80x128xf32, #tpu.memory_space<vmem>>)
    %dma_wait3A_227 = arith.constant 0 : i32
    %dma_wait3A_228 = arith.constant 0 : i32
    %dma_wait3A_229 = tpu.memref_slice %arg2[%dma_wait3A_227, %dma_wait3A_228] : memref<10000x128xf32, #tpu.memory_space<hbm>> -> memref<80x128xf32, #tpu.memory_space<hbm>>
    %dma_wait3A_230 = arith.constant 0 : i32
    %dma_wait3A_231 = arith.constant 0 : i32
    %dma_wait3A_232 = tpu.memref_slice %arg2[%dma_wait3A_230, %dma_wait3A_231] : memref<10000x128xf32, #tpu.memory_space<hbm>> -> memref<80x128xf32, #tpu.memory_space<hbm>>
    tpu.wait_dma2 semaphore(%arg20 : memref<!tpu.dma_semaphore, #tpu.memory_space<semaphore_mem>>) src(%dma_wait3A_232 : memref<80x128xf32, #tpu.memory_space<hbm>>) dst(%arg12 : memref<80x128xf32, #tpu.memory_space<vmem>>)
    %dma_start3A_233 = arith.constant 320 : i32
    %dma_start3A_234 = tpu.memref_slice %arg8[%dma_start3A_233] : memref<480xi32, #tpu.memory_space<vmem>> -> memref<80xi32, #tpu.memory_space<vmem>>
    %dma_start3A_235 = arith.constant 0 : i32
    %dma_start3A_236 = arith.constant 0 : i32
    %dma_start3A_237 = tpu.memref_slice %arg2[%dma_start3A_235, %dma_start3A_236] : memref<10000x128xf32, #tpu.memory_space<hbm>> -> memref<10000x128xf32, #tpu.memory_space<hbm>>
    tpu.enqueue_indirect_dma source(%dma_start3A_237 : memref<10000x128xf32, #tpu.memory_space<hbm>>) target(%arg12 : memref<80x128xf32, #tpu.memory_space<vmem>>) offsets(%dma_start3A_234 : memref<80xi32, #tpu.memory_space<vmem>>) semaphore(%arg17 : memref<!tpu.dma_semaphore, #tpu.memory_space<semaphore_mem>>)
    %dma_start3A_238 = arith.constant 160 : i32
    %dma_start3A_239 = tpu.memref_slice %arg7[%dma_start3A_238] : memref<480xi32, #tpu.memory_space<vmem>> -> memref<80xi32, #tpu.memory_space<vmem>>
    %dma_start3A_240 = arith.constant 0 : i32
    %dma_start3A_241 = arith.constant 0 : i32
    %dma_start3A_242 = tpu.memref_slice %arg15[%dma_start3A_240, %dma_start3A_241] : memref<10000x128xf32, #tpu.memory_space<vmem_shared>> -> memref<10000x128xf32, #tpu.memory_space<vmem_shared>>
    tpu.enqueue_indirect_dma source(%arg13 : memref<80x128xf32, #tpu.memory_space<vmem>>) target(%dma_start3A_242 : memref<10000x128xf32, #tpu.memory_space<vmem_shared>>) offsets(%dma_start3A_239 : memref<80xi32, #tpu.memory_space<vmem>>) semaphore(%arg21 : memref<!tpu.dma_semaphore, #tpu.memory_space<semaphore_mem>>) {add = true}
    %get3A_243 = arith.constant 160 : index
    %get3A_244 = tpu.vector_load %arg7[%get3A_243] {strides = array<i32>} : memref<480xi32, #tpu.memory_space<vmem>>, vector<16xi32>,
    tpu.vector_store_idx %arg14[%get3A_244], %broadcast_in_dim3A_151 {add = true} : memref<10000xf32, #tpu.memory_space<vmem>>[vector<16xi32>], vector<16xf32>,
    %get3A_245 = arith.constant 176 : index
    %get3A_246 = tpu.vector_load %arg7[%get3A_245] {strides = array<i32>} : memref<480xi32, #tpu.memory_space<vmem>>, vector<16xi32>,
    tpu.vector_store_idx %arg14[%get3A_246], %broadcast_in_dim3A_151 {add = true} : memref<10000xf32, #tpu.memory_space<vmem>>[vector<16xi32>], vector<16xf32>,
    %get3A_247 = arith.constant 192 : index
    %get3A_248 = tpu.vector_load %arg7[%get3A_247] {strides = array<i32>} : memref<480xi32, #tpu.memory_space<vmem>>, vector<16xi32>,
    tpu.vector_store_idx %arg14[%get3A_248], %broadcast_in_dim3A_151 {add = true} : memref<10000xf32, #tpu.memory_space<vmem>>[vector<16xi32>], vector<16xf32>,
    %get3A_249 = arith.constant 208 : index
    %get3A_250 = tpu.vector_load %arg7[%get3A_249] {strides = array<i32>} : memref<480xi32, #tpu.memory_space<vmem>>, vector<16xi32>,
    tpu.vector_store_idx %arg14[%get3A_250], %broadcast_in_dim3A_151 {add = true} : memref<10000xf32, #tpu.memory_space<vmem>>[vector<16xi32>], vector<16xf32>,
    %get3A_251 = arith.constant 224 : index
    %get3A_252 = tpu.vector_load %arg7[%get3A_251] {strides = array<i32>} : memref<480xi32, #tpu.memory_space<vmem>>, vector<16xi32>,
    tpu.vector_store_idx %arg14[%get3A_252], %broadcast_in_dim3A_151 {add = true} : memref<10000xf32, #tpu.memory_space<vmem>>[vector<16xi32>], vector<16xf32>,
    %dma_wait3A_253 = arith.constant 0 : i32
    %dma_wait3A_254 = arith.constant 0 : i32
    %dma_wait3A_255 = tpu.memref_slice %arg2[%dma_wait3A_253, %dma_wait3A_254] : memref<10000x128xf32, #tpu.memory_space<hbm>> -> memref<80x128xf32, #tpu.memory_space<hbm>>
    %dma_wait3A_256 = arith.constant 0 : i32
    %dma_wait3A_257 = arith.constant 0 : i32
    %dma_wait3A_258 = tpu.memref_slice %arg2[%dma_wait3A_256, %dma_wait3A_257] : memref<10000x128xf32, #tpu.memory_space<hbm>> -> memref<80x128xf32, #tpu.memory_space<hbm>>
    tpu.wait_dma2 semaphore(%arg16 : memref<!tpu.dma_semaphore, #tpu.memory_space<semaphore_mem>>) src(%dma_wait3A_258 : memref<80x128xf32, #tpu.memory_space<hbm>>) dst(%arg11 : memref<80x128xf32, #tpu.memory_space<vmem>>)
    %dma_wait3A_259 = arith.constant 0 : i32
    %dma_wait3A_260 = arith.constant 0 : i32
    %dma_wait3A_261 = tpu.memref_slice %arg2[%dma_wait3A_259, %dma_wait3A_260] : memref<10000x128xf32, #tpu.memory_space<hbm>> -> memref<80x128xf32, #tpu.memory_space<hbm>>
    %dma_wait3A_262 = arith.constant 0 : i32
    %dma_wait3A_263 = arith.constant 0 : i32
    %dma_wait3A_264 = tpu.memref_slice %arg2[%dma_wait3A_262, %dma_wait3A_263] : memref<10000x128xf32, #tpu.memory_space<hbm>> -> memref<80x128xf32, #tpu.memory_space<hbm>>
    tpu.wait_dma2 semaphore(%arg21 : memref<!tpu.dma_semaphore, #tpu.memory_space<semaphore_mem>>) src(%dma_wait3A_264 : memref<80x128xf32, #tpu.memory_space<hbm>>) dst(%arg13 : memref<80x128xf32, #tpu.memory_space<vmem>>)
    %dma_start3A_265 = arith.constant 240 : i32
    %dma_start3A_266 = tpu.memref_slice %arg7[%dma_start3A_265] : memref<480xi32, #tpu.memory_space<vmem>> -> memref<80xi32, #tpu.memory_space<vmem>>
    %dma_start3A_267 = arith.constant 0 : i32
    %dma_start3A_268 = arith.constant 0 : i32
    %dma_start3A_269 = tpu.memref_slice %arg15[%dma_start3A_267, %dma_start3A_268] : memref<10000x128xf32, #tpu.memory_space<vmem_shared>> -> memref<10000x128xf32, #tpu.memory_space<vmem_shared>>
    tpu.enqueue_indirect_dma source(%arg11 : memref<80x128xf32, #tpu.memory_space<vmem>>) target(%dma_start3A_269 : memref<10000x128xf32, #tpu.memory_space<vmem_shared>>) offsets(%dma_start3A_266 : memref<80xi32, #tpu.memory_space<vmem>>) semaphore(%arg19 : memref<!tpu.dma_semaphore, #tpu.memory_space<semaphore_mem>>) {add = true}
    %get3A_270 = arith.constant 240 : index
    %get3A_271 = tpu.vector_load %arg7[%get3A_270] {strides = array<i32>} : memref<480xi32, #tpu.memory_space<vmem>>, vector<16xi32>,
    tpu.vector_store_idx %arg14[%get3A_271], %broadcast_in_dim3A_151 {add = true} : memref<10000xf32, #tpu.memory_space<vmem>>[vector<16xi32>], vector<16xf32>,
    %get3A_272 = arith.constant 256 : index
    %get3A_273 = tpu.vector_load %arg7[%get3A_272] {strides = array<i32>} : memref<480xi32, #tpu.memory_space<vmem>>, vector<16xi32>,
    tpu.vector_store_idx %arg14[%get3A_273], %broadcast_in_dim3A_151 {add = true} : memref<10000xf32, #tpu.memory_space<vmem>>[vector<16xi32>], vector<16xf32>,
    %get3A_274 = arith.constant 272 : index
    %get3A_275 = tpu.vector_load %arg7[%get3A_274] {strides = array<i32>} : memref<480xi32, #tpu.memory_space<vmem>>, vector<16xi32>,
    tpu.vector_store_idx %arg14[%get3A_275], %broadcast_in_dim3A_151 {add = true} : memref<10000xf32, #tpu.memory_space<vmem>>[vector<16xi32>], vector<16xf32>,
    %get3A_276 = arith.constant 288 : index
    %get3A_277 = tpu.vector_load %arg7[%get3A_276] {strides = array<i32>} : memref<480xi32, #tpu.memory_space<vmem>>, vector<16xi32>,
    tpu.vector_store_idx %arg14[%get3A_277], %broadcast_in_dim3A_151 {add = true} : memref<10000xf32, #tpu.memory_space<vmem>>[vector<16xi32>], vector<16xf32>,
    %get3A_278 = arith.constant 304 : index
    %get3A_279 = tpu.vector_load %arg7[%get3A_278] {strides = array<i32>} : memref<480xi32, #tpu.memory_space<vmem>>, vector<16xi32>,
    tpu.vector_store_idx %arg14[%get3A_279], %broadcast_in_dim3A_151 {add = true} : memref<10000xf32, #tpu.memory_space<vmem>>[vector<16xi32>], vector<16xf32>,
    %dma_wait3A_280 = arith.constant 0 : i32
    %dma_wait3A_281 = arith.constant 0 : i32
    %dma_wait3A_282 = tpu.memref_slice %arg2[%dma_wait3A_280, %dma_wait3A_281] : memref<10000x128xf32, #tpu.memory_space<hbm>> -> memref<80x128xf32, #tpu.memory_space<hbm>>
    %dma_wait3A_283 = arith.constant 0 : i32
    %dma_wait3A_284 = arith.constant 0 : i32
    %dma_wait3A_285 = tpu.memref_slice %arg2[%dma_wait3A_283, %dma_wait3A_284] : memref<10000x128xf32, #tpu.memory_space<hbm>> -> memref<80x128xf32, #tpu.memory_space<hbm>>
    tpu.wait_dma2 semaphore(%arg17 : memref<!tpu.dma_semaphore, #tpu.memory_space<semaphore_mem>>) src(%dma_wait3A_285 : memref<80x128xf32, #tpu.memory_space<hbm>>) dst(%arg12 : memref<80x128xf32, #tpu.memory_space<vmem>>)
    %dma_wait3A_286 = arith.constant 0 : i32
    %dma_wait3A_287 = arith.constant 0 : i32
    %dma_wait3A_288 = tpu.memref_slice %arg2[%dma_wait3A_286, %dma_wait3A_287] : memref<10000x128xf32, #tpu.memory_space<hbm>> -> memref<80x128xf32, #tpu.memory_space<hbm>>
    %dma_wait3A_289 = arith.constant 0 : i32
    %dma_wait3A_290 = arith.constant 0 : i32
    %dma_wait3A_291 = tpu.memref_slice %arg2[%dma_wait3A_289, %dma_wait3A_290] : memref<10000x128xf32, #tpu.memory_space<hbm>> -> memref<80x128xf32, #tpu.memory_space<hbm>>
    tpu.wait_dma2 semaphore(%arg19 : memref<!tpu.dma_semaphore, #tpu.memory_space<semaphore_mem>>) src(%dma_wait3A_291 : memref<80x128xf32, #tpu.memory_space<hbm>>) dst(%arg11 : memref<80x128xf32, #tpu.memory_space<vmem>>)
    %dma_start3A_292 = arith.constant 320 : i32
    %dma_start3A_293 = tpu.memref_slice %arg7[%dma_start3A_292] : memref<480xi32, #tpu.memory_space<vmem>> -> memref<80xi32, #tpu.memory_space<vmem>>
    %dma_start3A_294 = arith.constant 0 : i32
    %dma_start3A_295 = arith.constant 0 : i32
    %dma_start3A_296 = tpu.memref_slice %arg15[%dma_start3A_294, %dma_start3A_295] : memref<10000x128xf32, #tpu.memory_space<vmem_shared>> -> memref<10000x128xf32, #tpu.memory_space<vmem_shared>>
    tpu.enqueue_indirect_dma source(%arg12 : memref<80x128xf32, #tpu.memory_space<vmem>>) target(%dma_start3A_296 : memref<10000x128xf32, #tpu.memory_space<vmem_shared>>) offsets(%dma_start3A_293 : memref<80xi32, #tpu.memory_space<vmem>>) semaphore(%arg20 : memref<!tpu.dma_semaphore, #tpu.memory_space<semaphore_mem>>) {add = true}
    %get3A_297 = arith.constant 320 : index
    %get3A_298 = tpu.vector_load %arg7[%get3A_297] {strides = array<i32>} : memref<480xi32, #tpu.memory_space<vmem>>, vector<16xi32>,
    tpu.vector_store_idx %arg14[%get3A_298], %broadcast_in_dim3A_151 {add = true} : memref<10000xf32, #tpu.memory_space<vmem>>[vector<16xi32>], vector<16xf32>,
    %get3A_299 = arith.constant 336 : index
    %get3A_300 = tpu.vector_load %arg7[%get3A_299] {strides = array<i32>} : memref<480xi32, #tpu.memory_space<vmem>>, vector<16xi32>,
    tpu.vector_store_idx %arg14[%get3A_300], %broadcast_in_dim3A_151 {add = true} : memref<10000xf32, #tpu.memory_space<vmem>>[vector<16xi32>], vector<16xf32>,
    %get3A_301 = arith.constant 352 : index
    %get3A_302 = tpu.vector_load %arg7[%get3A_301] {strides = array<i32>} : memref<480xi32, #tpu.memory_space<vmem>>, vector<16xi32>,
    tpu.vector_store_idx %arg14[%get3A_302], %broadcast_in_dim3A_151 {add = true} : memref<10000xf32, #tpu.memory_space<vmem>>[vector<16xi32>], vector<16xf32>,
    %get3A_303 = arith.constant 368 : index
    %get3A_304 = tpu.vector_load %arg7[%get3A_303] {strides = array<i32>} : memref<480xi32, #tpu.memory_space<vmem>>, vector<16xi32>,
    tpu.vector_store_idx %arg14[%get3A_304], %broadcast_in_dim3A_151 {add = true} : memref<10000xf32, #tpu.memory_space<vmem>>[vector<16xi32>], vector<16xf32>,
    %get3A_305 = arith.constant 384 : index
    %get3A_306 = tpu.vector_load %arg7[%get3A_305] {strides = array<i32>} : memref<480xi32, #tpu.memory_space<vmem>>, vector<16xi32>,
    tpu.vector_store_idx %arg14[%get3A_306], %broadcast_in_dim3A_151 {add = true} : memref<10000xf32, #tpu.memory_space<vmem>>[vector<16xi32>], vector<16xf32>,
    %dma_wait3A_307 = arith.constant 0 : i32
    %dma_wait3A_308 = arith.constant 0 : i32
    %dma_wait3A_309 = tpu.memref_slice %arg2[%dma_wait3A_307, %dma_wait3A_308] : memref<10000x128xf32, #tpu.memory_space<hbm>> -> memref<80x128xf32, #tpu.memory_space<hbm>>
    %dma_wait3A_310 = arith.constant 0 : i32
    %dma_wait3A_311 = arith.constant 0 : i32
    %dma_wait3A_312 = tpu.memref_slice %arg2[%dma_wait3A_310, %dma_wait3A_311] : memref<10000x128xf32, #tpu.memory_space<hbm>> -> memref<80x128xf32, #tpu.memory_space<hbm>>
    tpu.wait_dma2 semaphore(%arg20 : memref<!tpu.dma_semaphore, #tpu.memory_space<semaphore_mem>>) src(%dma_wait3A_312 : memref<80x128xf32, #tpu.memory_space<hbm>>) dst(%arg12 : memref<80x128xf32, #tpu.memory_space<vmem>>)
    %barrier3A_313 = arith.constant 0 : index
    tpu.barrier barrier_id(%barrier3A_313)
    %mul3A_314 = arith.constant 10000 : i32
    %mul3A_315 = arith.muli %add3A, %mul3A_314 : i32
    %dma_start3A_316 = tpu.memref_slice %arg6[%mul3A_315] : memref<320000xf32, #tpu.memory_space<hbm>> -> memref<10000xf32, #tpu.memory_space<hbm>>
    %dma_start3A_317 = tpu.memref_slice %arg6[%mul3A_315] : memref<320000xf32, #tpu.memory_space<hbm>> -> memref<10000xf32, #tpu.memory_space<hbm>>
    tpu.enqueue_dma source(%arg14 : memref<10000xf32, #tpu.memory_space<vmem>>) target(%dma_start3A_317 : memref<10000xf32, #tpu.memory_space<hbm>>) target_semaphore(%arg16 : memref<!tpu.dma_semaphore, #tpu.memory_space<semaphore_mem>>)
    "tpu.region"() ({
      %run_scoped3A = tpu.sem_alloc : memref<!tpu.dma_semaphore, #tpu.memory_space<semaphore_mem>>
      %dma_start3A_327 = arith.constant 0 : i32
      %dma_start3A_328 = tpu.memref_slice %arg5[%arg0, %mul3A_35, %dma_start3A_327] : memref<2x10000x128xf32, #tpu.memory_space<hbm>> -> memref<1x624x128xf32, #tpu.memory_space<hbm>>
      %dma_start3A_329 = tpu.memref_squeeze %dma_start3A_328 : memref<1x624x128xf32, #tpu.memory_space<hbm>> -> memref<624x128xf32, #tpu.memory_space<hbm>>
      %dma_start3A_330 = arith.constant 0 : i32
      %dma_start3A_331 = tpu.memref_slice %arg15[%mul3A_35, %dma_start3A_330] : memref<10000x128xf32, #tpu.memory_space<vmem_shared>> -> memref<624x128xf32, #tpu.memory_space<vmem_shared>>
      tpu.enqueue_dma source(%dma_start3A_331 : memref<624x128xf32, #tpu.memory_space<vmem_shared>>) target(%dma_start3A_329 : memref<624x128xf32, #tpu.memory_space<hbm>>) target_semaphore(%run_scoped3A : memref<!tpu.dma_semaphore, #tpu.memory_space<semaphore_mem>>)
      %dma_wait3A_332 = arith.constant 0 : i32
      %dma_wait3A_333 = tpu.memref_slice %arg5[%arg0, %mul3A_35, %dma_wait3A_332] : memref<2x10000x128xf32, #tpu.memory_space<hbm>> -> memref<1x624x128xf32, #tpu.memory_space<hbm>>
      %dma_wait3A_334 = tpu.memref_squeeze %dma_wait3A_333 : memref<1x624x128xf32, #tpu.memory_space<hbm>> -> memref<624x128xf32, #tpu.memory_space<hbm>>
      %dma_wait3A_335 = arith.constant 0 : i32
      %dma_wait3A_336 = tpu.memref_slice %arg15[%mul3A_35, %dma_wait3A_335] : memref<10000x128xf32, #tpu.memory_space<vmem_shared>> -> memref<624x128xf32, #tpu.memory_space<vmem_shared>>
      tpu.wait_dma2 semaphore(%run_scoped3A : memref<!tpu.dma_semaphore, #tpu.memory_space<semaphore_mem>>) src(%dma_wait3A_336 : memref<624x128xf32, #tpu.memory_space<vmem_shared>>) dst(%dma_wait3A_334 : memref<624x128xf32, #tpu.memory_space<hbm>>)
      tpu.yield
    }) : () -> ()
    %eq3A_318 = arith.constant 15 : i32
    %eq3A_319 = arith.cmpi eq, %arg1, %eq3A_318 : i32
    %convert_element_type3A_320 = arith.extui %eq3A_319 : i1 to i32
    %cond3A_321 = arith.constant 0 : i32
    %cond3A_322 = arith.cmpi ne, %convert_element_type3A_320, %cond3A_321 : i32
    scf.if %cond3A_322 {
      "tpu.region"() ({
        %run_scoped3A = tpu.sem_alloc : memref<!tpu.dma_semaphore, #tpu.memory_space<semaphore_mem>>
        %dma_start3A_327 = arith.constant 9984 : i32
        %dma_start3A_328 = arith.constant 0 : i32
        %dma_start3A_329 = tpu.memref_slice %arg5[%arg0, %dma_start3A_327, %dma_start3A_328] : memref<2x10000x128xf32, #tpu.memory_space<hbm>> -> memref<1x16x128xf32, #tpu.memory_space<hbm>>
        %dma_start3A_330 = tpu.memref_squeeze %dma_start3A_329 : memref<1x16x128xf32, #tpu.memory_space<hbm>> -> memref<16x128xf32, #tpu.memory_space<hbm>>
        %dma_start3A_331 = arith.constant 9984 : i32
        %dma_start3A_332 = arith.constant 0 : i32
        %dma_start3A_333 = tpu.memref_slice %arg15[%dma_start3A_331, %dma_start3A_332] : memref<10000x128xf32, #tpu.memory_space<vmem_shared>> -> memref<16x128xf32, #tpu.memory_space<vmem_shared>>
        tpu.enqueue_dma source(%dma_start3A_333 : memref<16x128xf32, #tpu.memory_space<vmem_shared>>) target(%dma_start3A_330 : memref<16x128xf32, #tpu.memory_space<hbm>>) target_semaphore(%run_scoped3A : memref<!tpu.dma_semaphore, #tpu.memory_space<semaphore_mem>>)
        %dma_wait3A_334 = arith.constant 9984 : i32
        %dma_wait3A_335 = arith.constant 0 : i32
        %dma_wait3A_336 = tpu.memref_slice %arg5[%arg0, %dma_wait3A_334, %dma_wait3A_335] : memref<2x10000x128xf32, #tpu.memory_space<hbm>> -> memref<1x16x128xf32, #tpu.memory_space<hbm>>
        %dma_wait3A_337 = tpu.memref_squeeze %dma_wait3A_336 : memref<1x16x128xf32, #tpu.memory_space<hbm>> -> memref<16x128xf32, #tpu.memory_space<hbm>>
        %dma_wait3A_338 = arith.constant 9984 : i32
        %dma_wait3A_339 = arith.constant 0 : i32
        %dma_wait3A_340 = tpu.memref_slice %arg15[%dma_wait3A_338, %dma_wait3A_339] : memref<10000x128xf32, #tpu.memory_space<vmem_shared>> -> memref<16x128xf32, #tpu.memory_space<vmem_shared>>
        tpu.wait_dma2 semaphore(%run_scoped3A : memref<!tpu.dma_semaphore, #tpu.memory_space<semaphore_mem>>) src(%dma_wait3A_340 : memref<16x128xf32, #tpu.memory_space<vmem_shared>>) dst(%dma_wait3A_337 : memref<16x128xf32, #tpu.memory_space<hbm>>)
        tpu.yield
      }) : () -> ()
    } else {
    }
    %mul3A_323 = arith.constant 10000 : i32
    %mul3A_324 = arith.muli %add3A, %mul3A_323 : i32
    %dma_wait3A_325 = tpu.memref_slice %arg6[%mul3A_324] : memref<320000xf32, #tpu.memory_space<hbm>> -> memref<10000xf32, #tpu.memory_space<hbm>>
    %dma_wait3A_326 = tpu.memref_slice %arg6[%mul3A_324] : memref<320000xf32, #tpu.memory_space<hbm>> -> memref<10000xf32, #tpu.memory_space<hbm>>
    tpu.wait_dma2 semaphore(%arg16 : memref<!tpu.dma_semaphore, #tpu.memory_space<semaphore_mem>>) src(%arg14 : memref<10000xf32, #tpu.memory_space<vmem>>) dst(%dma_wait3A_326 : memref<10000xf32, #tpu.memory_space<hbm>>)
    return
  }
}

module attributes {stable_mosaic.version = 14 : i64} {
  func.func @_tc_body(%arg0: i32, %arg1: memref<2x2000x128xf32, #tpu.memory_space<vmem>>, %arg2: memref<2000x32xf32, #tpu.memory_space<vmem>>, %arg3: memref<2000x128xf32, #tpu.memory_space<vmem>>, %arg4: memref<128x128xf32, #tpu.memory_space<vmem>>, %arg5: memref<128x128xf32, #tpu.memory_space<vmem>>, %arg6: memref<1x256xf32, #tpu.memory_space<vmem>>, %arg7: memref<2000x256xf32, #tpu.memory_space<vmem>>) attributes {dimension_semantics = [#tpu.dimension_semantics<arbitrary>], iteration_bounds = array<i64: 5>, scalar_prefetch = 0 : i64, scratch_operands = 0 : i64, tpu.core_type = #tpu.core_type<tc>, window_params = [{transform_indices = @transform_0, window_bounds = array<i64: 2, 2000, 128>}, {transform_indices = @transform_1, window_bounds = array<i64: 2000, 32>}, {transform_indices = @transform_2, window_bounds = array<i64: 2000, 128>}, {pipeline_mode = #tpu.pipeline_mode<synchronous>, transform_indices = @transform_3, window_bounds = array<i64: 128, 128>}, {pipeline_mode = #tpu.pipeline_mode<synchronous>, transform_indices = @transform_4, window_bounds = array<i64: 128, 128>}, {pipeline_mode = #tpu.pipeline_mode<synchronous>, transform_indices = @transform_5, window_bounds = array<i64: 1, 256>}, {transform_indices = @transform_6, window_bounds = array<i64: 2000, 256>}]} {
    %get3A = arith.constant 0 : index
    %get3A_0 = arith.constant 0 : index
    %get3A_1 = arith.constant 0 : index
    %get3A_2 = vector.load %arg1[%get3A, %get3A_0, %get3A_1] : memref<2x2000x128xf32, #tpu.memory_space<vmem>>, vector<1x2000x128xf32>
    %get3A_3 = vector.shape_cast %get3A_2 : vector<1x2000x128xf32> to vector<2000x128xf32>
    %get3A_4 = arith.constant 1 : index
    %get3A_5 = arith.constant 0 : index
    %get3A_6 = arith.constant 0 : index
    %get3A_7 = vector.load %arg1[%get3A_4, %get3A_5, %get3A_6] : memref<2x2000x128xf32, #tpu.memory_space<vmem>>, vector<1x2000x128xf32>
    %get3A_8 = vector.shape_cast %get3A_7 : vector<1x2000x128xf32> to vector<2000x128xf32>
    %add3A = arith.addf %get3A_3, %get3A_8 : vector<2000x128xf32>
    %get3A_9 = arith.constant 0 : index
    %get3A_10 = arith.constant 0 : index
    %get3A_11 = vector.load %arg2[%get3A_9, %get3A_10] : memref<2000x32xf32, #tpu.memory_space<vmem>>, vector<2000x32xf32>
    %reduce_sum3A = arith.constant dense<0.000000e+00> : vector<2000xf32>
    %reduce_sum3A_12 = vector.multi_reduction <add>, %get3A_11, %reduce_sum3A [1] : vector<2000x32xf32> to vector<2000xf32>
    %broadcast_in_dim3A = vector.shape_cast %reduce_sum3A_12 : vector<2000xf32> to vector<2000x1xf32>
    %max3A = arith.constant 1.000000e+00 : f32
    %max3A_13 = vector.broadcast %max3A : f32 to vector<2000x1xf32>
    %max3A_14 = arith.maximumf %broadcast_in_dim3A, %max3A_13 : vector<2000x1xf32>
    %div3A = vector.broadcast %max3A_14 : vector<2000x1xf32> to vector<2000x128xf32>
    %div3A_15 = arith.divf %add3A, %div3A : vector<2000x128xf32>
    %get3A_16 = arith.constant 0 : index
    %get3A_17 = arith.constant 0 : index
    %get3A_18 = vector.load %arg4[%get3A_16, %get3A_17] : memref<128x128xf32, #tpu.memory_space<vmem>>, vector<128x128xf32>
    %dot_general3A = arith.constant dense<0.000000e+00> : vector<2000x128xf32>
    %dot_general3A_19 = tpu.matmul %div3A_15, %get3A_18, %dot_general3A {dimension_numbers = #tpu.dot_dimension_numbers<[1], [0], [0], [1], [0, 0, 1, 1], [], []>, transpose_lhs_hint = false} : vector<2000x128xf32>, vector<128x128xf32>, vector<2000x128xf32> -> vector<2000x128xf32>
    %get3A_20 = arith.constant 0 : index
    %get3A_21 = arith.constant 0 : index
    %get3A_22 = vector.load %arg3[%get3A_20, %get3A_21] : memref<2000x128xf32, #tpu.memory_space<vmem>>, vector<2000x128xf32>
    %get3A_23 = arith.constant 0 : index
    %get3A_24 = arith.constant 0 : index
    %get3A_25 = vector.load %arg5[%get3A_23, %get3A_24] : memref<128x128xf32, #tpu.memory_space<vmem>>, vector<128x128xf32>
    %dot_general3A_26 = arith.constant dense<0.000000e+00> : vector<2000x128xf32>
    %dot_general3A_27 = tpu.matmul %get3A_22, %get3A_25, %dot_general3A_26 {dimension_numbers = #tpu.dot_dimension_numbers<[1], [0], [0], [1], [0, 0, 1, 1], [], []>, transpose_lhs_hint = false} : vector<2000x128xf32>, vector<128x128xf32>, vector<2000x128xf32> -> vector<2000x128xf32>
    %concatenate3A = tpu.concatenate %dot_general3A_19, %dot_general3A_27 in 1 : vector<2000x128xf32>, vector<2000x128xf32> -> vector<2000x256xf32>
    %get3A_28 = arith.constant 0 : index
    %get3A_29 = arith.constant 0 : index
    %get3A_30 = vector.load %arg6[%get3A_28, %get3A_29] : memref<1x256xf32, #tpu.memory_space<vmem>>, vector<1x256xf32>
    %add3A_31 = vector.broadcast %get3A_30 : vector<1x256xf32> to vector<2000x256xf32>
    %add3A_32 = arith.addf %concatenate3A, %add3A_31 : vector<2000x256xf32>
    %max3A_33 = arith.constant 0.000000e+00 : f32
    %max3A_34 = vector.broadcast %max3A_33 : f32 to vector<2000x256xf32>
    %max3A_35 = arith.maximumf %add3A_32, %max3A_34 : vector<2000x256xf32>
    %swap3A = arith.constant 0 : index
    %swap3A_36 = arith.constant 0 : index
    %swap3A_37 = vector.load %arg7[%swap3A, %swap3A_36] : memref<2000x256xf32, #tpu.memory_space<vmem>>, vector<2000x256xf32>
    tpu.vector_store %arg7[%swap3A, %swap3A_36], %max3A_35 {strides = array<i32>} : memref<2000x256xf32, #tpu.memory_space<vmem>>, vector<2000x256xf32>,
    return
  }
  func.func @transform_0(%arg0: i32) -> (i32, i32, i32) {
    %c0_i32 = arith.constant 0 : i32
    %c0_i32_0 = arith.constant 0 : i32
    %c0_i32_1 = arith.constant 0 : i32
    return %c0_i32, %arg0, %c0_i32_0 : i32, i32, i32
  }
  func.func @transform_1(%arg0: i32) -> (i32, i32) {
    %c0_i32 = arith.constant 0 : i32
    %c0_i32_0 = arith.constant 0 : i32
    return %arg0, %c0_i32 : i32, i32
  }
  func.func @transform_2(%arg0: i32) -> (i32, i32) {
    %c0_i32 = arith.constant 0 : i32
    %c0_i32_0 = arith.constant 0 : i32
    return %arg0, %c0_i32 : i32, i32
  }
  func.func @transform_3(%arg0: i32) -> (i32, i32) {
    %c0_i32 = arith.constant 0 : i32
    %c0_i32_0 = arith.constant 0 : i32
    %c0_i32_1 = arith.constant 0 : i32
    return %c0_i32, %c0_i32_0 : i32, i32
  }
  func.func @transform_4(%arg0: i32) -> (i32, i32) {
    %c0_i32 = arith.constant 0 : i32
    %c0_i32_0 = arith.constant 0 : i32
    %c0_i32_1 = arith.constant 0 : i32
    return %c0_i32, %c0_i32_0 : i32, i32
  }
  func.func @transform_5(%arg0: i32) -> (i32, i32) {
    %c0_i32 = arith.constant 0 : i32
    %c0_i32_0 = arith.constant 0 : i32
    %c0_i32_1 = arith.constant 0 : i32
    return %c0_i32, %c0_i32_0 : i32, i32
  }
  func.func @transform_6(%arg0: i32) -> (i32, i32) {
    %c0_i32 = arith.constant 0 : i32
    %c0_i32_0 = arith.constant 0 : i32
    return %arg0, %c0_i32 : i32, i32
  }
}

</mosaic_0001>

<sc_bundles>
// kernel: kernel.4.cloned.1.call-start
scs
__scs_entry_jumppad:
0x0: {  	(pc) =	sbr.rel $0x88, $3  }
0x1: {  	(tag) =	ssettag $0x0;
	lr =	simm.s32 $0x1  }
0x2: {  	[smem:$0x3F9C] =	sst lr;
	_ =	strace $0xD0000000  }
0x3: {  	_ = 	snop  }
0x4: {  	_ = 	snop  }
0x5: {  	_ = 	snop  }
0x6: {  	_ = 	snop  }
0x7: {  	_ = 	snop  }
__scs_overlays_trampoline_lowered:
0x8: {  	[smem:$0x3FAB] =	sst s0  }
0x9: {  	[smem:$0x3FAC] =	sst s1  }
0xa: {  	[smem:$0x3FAD] =	sst s2  }
0xb: {  	[smem:$0x3FAE] =	sst s3  }
0xc: {  	[smem:$0x3FAF] =	sst s4  }
0xd: {  	[smem:$0x3FB0] =	sst s5  }
0xe: {  	[smem:$0x3FB1] =	sst s6  }
0xf: {  	[smem:$0x3FB2] =	sst s7  }
0x10: {  	[smem:$0x3FB3] =	sst s8  }
0x11: {  	[smem:$0x3FB4] =	sst s9;
	s0 =	simm.s32 @!p0 $0x0  }
0x12: {  	s1 =	sld [smem:$0x3F9A];
	s0 =	simm.s32 @p0 $0x1  }
0x13: {  	[smem:$0x3FB5] =	sst s0;
	s0 =	simm.s32 @!p1 $0x0  }
0x14: {  	s2 =	sld [smem:$0x3F99];
	s0 =	simm.s32 @p1 $0x1  }
0x15: {  	[smem:$0x3FB6] =	sst s0;
	s0 =	simm.s32 @!p2 $0x0  }
0x16: {  	s3 =	sld [smem:$0x3FDB];
	s0 =	simm.s32 @p2 $0x1  }
0x17: {  	s4 =	simm.s32 $0x1BF5;
	[smem:$0x3FB8] =	sst s0  }
0x18: {  	s0 =	sld [smem:$0x3F9B];
	_ =	swait.ge [sflag:s4], $0x0  }
0x19: {  	s7 =	sld [smem:$0x3F9C]  }
0x1a: {  	s8 =	sadd.s32 $0xFFFFE003, lr  }
0x1b: {  	s9 =	sadd.s32 $0xFFFFFEF7, lr;
	s5 =	simm.s32 $0xFFFFFFFF;
	p2 =	slt.u32 s8, $0xFFFFF086  }
0x1c: {  	p1 =	slt.u32 s9, $0xF7A;
	s5 =	simm.s32 @!p2 $0x0  }
0x1d: {  	s5 =	simm.s32 @p1 $0x1;
	p0 =	seq.s32 s7, s2  }
0x1e: {  	s7 =	smul.u32 @!p0 $0xF7A, s2;
	p2 =	seq.s32 @!p0 s5, $0x0  }
0x1f: {  	s9 =	smul.u32 $0xF7A, s1;
	s8 =	simm.s32 @!p0 $0x1BF5;
	p2 =	por !p2, p0  }
0x20: {  	[sflag:s8] =	ssyncset.s32 @!p0 $0xFFFFF086;
	s6 =	sadd.s32 @!p0 s3, s7;
	s7 =	simm.s32 @!p0 $0x108  }
0x21: {  	s3 =	sadd.s32 s3, s9;
	s6 =	sadd.s32 @!p0 $0x88, s6;
	s7 =	simm.s32 @p2 $0x1082  }
0x22: {  	[simem:s7], [sflag:s8] =	dma.local @!p0 [hbm:s6], $0xF7A  }
0x23: {  	s9 =	sor.u32 $0xD0000000, s2;
	s6 =	simm.s32 $0x108;
	_ =	swait.ge @!p0 [sflag:s8], $0x0  }
0x24: {  	s3 =	sadd.s32 $0x88, s3;
	s6 =	simm.s32 @!p1 $0x1082;
	[sflag:s4] =	ssyncset.s32 $0xFFFFF086  }
0x25: {  	[simem:s6], [sflag:s4] =	dma.local [hbm:s3], $0xF7A  }
0x26: {  	[smem:$0x3F9C] =	sst s1;
	(tag) =	ssettag s2;
	_ =	strace s9  }
0x27: {  	s1 =	sld [smem:$0x3FAC]  }
0x28: {  	s2 =	sld [smem:$0x3FAD]  }
0x29: {  	s4 =	sld [smem:$0x3FAF]  }
0x2a: {  	p0 =	seq.s32 s5, $0x0;
	s5 =	sld [smem:$0x3FB0]  }
0x2b: {  	s6 =	sld [smem:$0x3FB1]  }
0x2c: {  	s7 =	sld [smem:$0x3FB2]  }
0x2d: {  	s3 =	simm.s32 $0x108;
	s8 =	sld [smem:$0x3FB3]  }
0x2e: {  	s3 =	simm.s32 @!p0 $0x1082;
	s9 =	sld [smem:$0x3FB4]  }
0x2f: {  	lr =	sadd.s32 s0, s3;
	s0 =	sld [smem:$0x3FAB]  }
0x30: {  	s3 =	sld [smem:$0x3FAE]  }
0x31: {  	[smem:$0x3FB7] =	sst s10  }
0x32: {  	s10 =	sld [smem:$0x3FB5];
	_ =	sdelay $0x3  }
0x33: {  	p0 =	seq.s32 s10, $0x1;
	s10 =	sld [smem:$0x3FB7];
	_ =	sdelay $0x3  }
0x34: {  	[smem:$0x3FB7] =	sst s10  }
0x35: {  	s10 =	sld [smem:$0x3FB6];
	_ =	sdelay $0x3  }
0x36: {  	p1 =	seq.s32 s10, $0x1;
	s10 =	sld [smem:$0x3FB7];
	_ =	sdelay $0x3  }
0x37: {  	[smem:$0x3FB7] =	sst s10  }
0x38: {  	s10 =	sld [smem:$0x3FB8]  }
0x39: {  	_ = 	snop;
	(pc) =	sbr.ind lr, $3  }
0x3a: {  	_ = 	snop  }
0x3b: {  	_ = 	snop  }
0x3c: {  	p2 =	seq.s32 s10, $0x1;
	s10 =	sld [smem:$0x3FB7]  }
0x3d: {  	_ =	shalt  }
0x3e: {  	_ =	shalt  }
0x3f: {  	_ =	shalt  }
0x40: {  	_ =	shalt  }
0x41: {  	_ =	shalt  }
0x42: {  	_ =	shalt  }
0x43: {  	_ =	shalt  }
0x44: {  	_ =	shalt  }
0x45: {  	_ =	shalt  }
0x46: {  	_ =	shalt  }
0x47: {  	_ =	shalt  }
0x48: {  	_ =	shalt  }
0x49: {  	_ =	shalt  }
0x4a: {  	_ =	shalt  }
0x4b: {  	_ =	shalt  }
0x4c: {  	_ =	shalt  }
0x4d: {  	_ =	shalt  }
0x4e: {  	_ =	shalt  }
0x4f: {  	_ =	shalt  }
0x50: {  	_ =	shalt  }
0x51: {  	_ =	shalt  }
0x52: {  	_ =	shalt  }
0x53: {  	_ =	shalt  }
0x54: {  	_ =	shalt  }
0x55: {  	_ =	shalt  }
0x56: {  	_ =	shalt  }
0x57: {  	_ =	shalt  }
0x58: {  	_ =	shalt  }
0x59: {  	_ =	shalt  }
0x5a: {  	_ =	shalt  }
0x5b: {  	_ =	shalt  }
0x5c: {  	_ =	shalt  }
0x5d: {  	_ =	shalt  }
0x5e: {  	_ =	shalt  }
0x5f: {  	_ =	shalt  }
0x60: {  	_ =	shalt  }
0x61: {  	_ =	shalt  }
0x62: {  	_ =	shalt  }
0x63: {  	_ =	shalt  }
0x64: {  	_ =	shalt  }
0x65: {  	_ =	shalt  }
0x66: {  	_ =	shalt  }
0x67: {  	_ =	shalt  }
0x68: {  	_ =	shalt  }
0x69: {  	_ =	shalt  }
0x6a: {  	_ =	shalt  }
0x6b: {  	_ =	shalt  }
0x6c: {  	_ =	shalt  }
0x6d: {  	_ =	shalt  }
0x6e: {  	_ =	shalt  }
0x6f: {  	_ =	shalt  }
0x70: {  	_ =	shalt  }
0x71: {  	_ =	shalt  }
0x72: {  	_ =	shalt  }
0x73: {  	_ =	shalt  }
0x74: {  	_ =	shalt  }
0x75: {  	_ =	shalt  }
0x76: {  	_ =	shalt  }
0x77: {  	_ =	shalt  }
0x78: {  	_ =	shalt  }
0x79: {  	_ =	shalt  }
0x7a: {  	_ =	shalt  }
0x7b: {  	_ =	shalt  }
0x7c: {  	_ =	shalt  }
0x7d: {  	_ =	shalt  }
0x7e: {  	_ =	shalt  }
0x7f: {  	_ =	shalt  }
0x80: {  	_ =	shalt  }
0x81: {  	_ =	shalt  }
0x82: {  	_ =	shalt  }
0x83: {  	_ =	shalt  }
0x84: {  	_ =	shalt  }
0x85: {  	_ =	shalt  }
0x86: {  	_ =	shalt  }
0x87: {  	_ =	shalt  }
.Lfunc_end0:
.L_simem_size_0:
called_computation_lowered:
.L_overlay_start_0:
0x88: {  	s2 =	sld [smem:$0x3FD9]  }
0x89: {  	s3 =	sld [smem:$0x3FFE];
	_ =	sdelay $0x1  }
0x8a: {  	s1 =	srdreg.scid  }
0x8b: {  	s0 =	sand.u32 $0x1, s1  }
0x8c: {  	s17 =	sshll.u32 s0, $0xA;
	s2 =	sadd.s32 s3, s2  }
0x8d: {  	s2 =	sadd.s32 s2, s17  }
0x8e: {  	[smem:$0x3FC3] =	sst s2  }
0x8f: {  	_ = 	snop  }
0x90: {  	s2 =	sld [smem:$0x3FC9]  }
0x91: {  	s18 =	sld [smem:$0x3FD0];
	(tm) =	ssettm $0x1  }
0x92: {  	s4 =	sld [smem:$0x3FFB];
	_ =	sdelay $0x3  }
0x93: {  	_ =	strace s4  }
0x94: {  	s4 =	sld [smem:$0x3FFC];
	_ =	sdelay $0x3  }
0x95: {  	_ =	strace s4  }
0x96: {  	s4 =	sld [smem:$0x3FFD];
	_ =	sdelay $0x3  }
0x97: {  	_ =	strace s4  }
0x98: {  	_ =	strace $0x8FFFFFFF  }
0x99: {  	s19 =	sld [smem:$0x3FDB];
	_ =	sdelay $0x1  }
0x9a: {  	s5 =	simm.s32 $_scs_section_size  }
0x9b: {  	s6 =	simm.s32 $_size__tile_overlayer_lowered;
	s7 =	simm.s32 $_tile_overlayer_lowered  }
0x9c: {  	s22 =	simm.s32 $0x1BFF;
	s21 =	sshll.u32 s7, $0x1;
	s4 =	sadd.s32 s5, s19  }
0x9d: {  	s8 =	simm.s32 $0x0;
	s20 =	sshll.u32 s6, $0x1;
	s6 =	sadd.s32 s21, s4  }
0x9e: {  	[timem:s8], [sflag:s22] =	dma.local [hbm:s6], s20  }
0x9f: {  	_ =	swait.ge [sflag:s22], s20  }
0xa0: {  	s5 =	ssub.s32 $0x0, s20;
	[sflag:s22] =	ssyncset.done $0x0  }
0xa1: {  	[sflag:s22] =	ssyncadd.s32 s5;
	_ =	sdelay $0x1  }
0xa2: {  	s23 =	simm.s32 $0x1B8B  }
0xa3: {  	_ =	swait.ge [sflag:s23], $0x1  }
0xa4: {  	[sflag:s23] =	ssyncset.done $0x0  }
0xa5: {  	s25 =	simm.s32 $0x1B8E;
	s24 =	sld [smem:$0x3FFE];
	[sflag:s23] =	ssyncadd.s32 $0xFFFFFFFF  }
0xa6: {  	s26 =	simm.s32 $execute0_lowered;
	[smem:$0x3FD2] =	sst s25  }
0xa7: {  	s6 =	sshll.u32 s26, $0x1;
	_ =	strace $0x80000046;
	[dreg:$0x1] =	wrdreg $0xFFFFFFFF  }
0xa8: {  	s28 =	simm.s32 $_size_execute0_lowered;
	s4 =	sadd.s32 s4, s6;
	[dreg:$0x0] =	wrdreg $0x0  }
0xa9: {  	s6 =	sshll.u32 s28, $0x1;
	[dreg:$0x2] =	wrdreg s4  }
0xaa: {  	[dreg:$0x3] =	wrdreg s6  }
0xab: {  	[dreg:$0x4] =	wrdreg $0xC0  }
0xac: {  	_ =	task [dreg:s8], $0x5FFFF  }
0xad: {  	[dreg:$0x1] =	wrdreg $0xFFFFFFFF  }
0xae: {  	[dreg:$0x0] =	wrdreg $0x60  }
0xaf: {  	[dreg:$0x2] =	wrdreg s2  }
0xb0: {  	[dreg:$0x3] =	wrdreg s24  }
0xb1: {  	[dreg:$0x4] =	wrdreg s18  }
0xb2: {  	[dreg:$0x5] =	wrdreg $0xA7800  }
0xb3: {  	[dreg:$0x6] =	wrdreg $0x9  }
0xb4: {  	_ =	task.clear_ibuf [dreg:s8], $0x7FFFF;
	_ =	strace $0x90000046  }
0xb5: {  	s29 =	simm.s32 $0x9;
	_ =	strace $0x80000048  }
0xb6: {  	_ =	swait.ge [sflag:s29], $0x1  }
0xb7: {  	[sflag:s29] =	ssyncadd.s32 $0xFFFFFFFF  }
0xb8: {  	_ =	strace $0x90000048  }
0xb9: {  	_ =	sfence  }
0xba: {  	s30 =	sld [smem:$0x0];
	_ =	sdelay $0x2  }
0xbb: {  	s31 =	sshll.u32 s1, $0xD;
	s1 =	sshrl.u32 s1, $0x2  }
0xbc: {  	s3 =	sand.u32 $0x4000, s31;
	s1 =	sadd.s32 s1, s30  }
0xbd: {  	s0 =	sor.u32 s3, s0;
	s1 =	sshll.u32 s1, $0x11  }
0xbe: {  	s0 =	sor.u32 s1, s0  }
0xbf: {  	s0 =	sadd.s32 $0x8F2B, s0  }
0xc0: {  	[sflag:s0] =	ssyncadd.remote.s32 $0x1  }
0xc1: {  	_ =	sfence.sel $0xFFFF  }
0xc2: {  	[dreg:$0x0] =	wrdreg $0xFFFFFFFF;
	(pc) =	sbr.abs _section_cstart, $3  }
0xc3: {  	[dreg:$0x1] =	wrdreg $0xFFFFFFFF  }
0xc4: {  	_ =	task.clear_ibuf [dreg:s8], $0x2FFFF;
	_ =	strace $0x9FFFFFFF  }
0xc5: {  	(tm) =	ssettm $0x7FFFFFFF  }
tec
execute0_lowered:
.L_overlay_start_1:
0x0: {  	(tag) =	ssettag $0x1  }
0x1: {  	s1 =	rddreg [dreg:$0x0]  }
0x2: {  	s0 =	rddreg [dreg:$0x1]  }
0x3: {  	s3 =	rddreg [dreg:$0x2]  }
0x4: {  	s2 =	rddreg [dreg:$0x3]  }
0x5: {  	s4 =	srdreg.scid;
	s13 =	stileid.u32  }
0x6: {  	s29 =	simm.s32 $0x3000;
	s30 =	simm.s32 $0x5800;
	s31 =	simm.s32 $0x4  }
0x7: {  	s7 =	sand.u32 $0x1, s4;
	s4 =	simm.s32 $0x0;
	s11 =	smul.u32 $0x4E000, s13  }
0x8: {  	s6 =	sadd.s32 $0x1000, s0;
	s26 =	smul.u32 $0x2760, s13;
	s28 =	sadd.s32 $0x138000, s2  }
0x9: {  	p0 =	sne.s32 s13, $0xF;
	s5 =	sshll.u32 s7, $0x4;
	s25 =	smul.u32 $0x27600, s7  }
0xa: {  	[smem:$0x7FF] =	sst s4;
	s10 =	ssub.s32 $0x2, s7;
	s7 =	smul.u32 $0x138800, s7  }
0xb: {  	s8 =	sor.u32 s13, s5;
	_ =	strace $0x80000047;
	s5 =	sadd.s32 $0xAE00, s0  }
0xc: {  	s24 =	sshrl.u32 s11, $0x2;
	s11 =	simm.s32 $0x650;
	[dreg:$0x1d] =	wrdreg s28  }
0xd: {  	s23 =	sshrl.u32 s10, $0x1;
	s22 =	sadd.s32 s24, s2;
	[dreg:$0x8] =	wrdreg s11  }
0xe: {  	s9 =	smul.u32 $0x4E2, s8;
	s14 =	sadd.s32 $0x2800, s22;
	[dreg:$0x13] =	wrdreg s22  }
0xf: {  	s8 =	smul.u32 $0x2760, s8;
	s15 =	sadd.s32 $0x5000, s22;
	[dreg:$0x16] =	wrdreg s14  }
0x10: {  	s24 =	smul.u32 $0x13800, s13;
	s16 =	sadd.s32 $0x7800, s22;
	[dreg:$0x17] =	wrdreg s15  }
0x11: {  	s11 =	simm.s32 $0x8000;
	s17 =	sadd.s32 $0xA000, s22;
	[dreg:$0x18] =	wrdreg s16  }
0x12: {  	s13 =	simm.s32 $0x0;
	s18 =	sadd.s32 $0xC800, s22;
	[dreg:$0x19] =	wrdreg s17  }
0x13: {  	s20 =	sadd.s32 $0xF000, s22;
	s21 =	sadd.s32 $0x11800, s22;
	[dreg:$0x1a] =	wrdreg s18  }
0x14: {  	s0 =	sadd.s32 s9, s0;
	s9 =	ssub.s32 s10, s23;
	[dreg:$0x1b] =	wrdreg s20  }
0x15: {  	s8 =	sshrl.u32 s8, $0x3;
	[dreg:$0x1c] =	wrdreg s21;
	s14 =	simm.s32 $0x6A0  }
0x16: {  	s15 =	simm.s32 $0x6F0;
	s16 =	simm.s32 $0x450;
	[dreg:$0xa] =	wrdreg s14  }
0x17: {  	s17 =	simm.s32 $0x740;
	s21 =	simm.s32 $0x790;
	[dreg:$0xb] =	wrdreg s15  }
0x18: {  	s12 =	sadd.s32 s5, s8;
	s8 =	sadd.s32 s6, s8;
	[dreg:$0xc] =	wrdreg s16  }
0x19: {  	s0 =	sadd.s32 $0x14C00, s0;
	s18 =	smax.u32 s9, $0x1;
	[dreg:$0xd] =	wrdreg s17  }
0x1a: {  	[dreg:$0xf] =	wrdreg s21;
	s9 =	simm.s32 $0x600;
	s14 =	simm.s32 $0x3  }
0x1b: {  	s15 =	simm.s32 $0x5;
	s16 =	simm.s32 $0x2F0;
	[dreg:$0x14] =	wrdreg s12  }
0x1c: {  	s21 =	simm.s32 $0xF0;
	[dreg:$0x15] =	wrdreg s8;
	s8 =	sadd.s32 s26, s25  }
0x1d: {  	[dreg:$0x1e] =	wrdreg s0;
	s25 =	simm.s32 $0x390;
	s26 =	sadd.s32 s24, s7  }
0x1e: {  	s12 =	simm.s32 $0x190;
	s7 =	sshrl.u32 s7, $0x3;
	[smem:$0x7FC] =	sst s18  }
0x1f: {  	s24 =	simm.s32 $0x4F0;
	s0 =	simm.s32 $0x1;
	[dreg:$0x7] =	wrdreg s25  }
0x20: {  	s18 =	simm.s32 $0x340;
	s19 =	sadd.s32 $0x1E0, s8;
	[dreg:$0x9] =	wrdreg s12  }
0x21: {  	s20 =	sadd.s32 $0x3C0, s8;
	[dreg:$0x10] =	wrdreg s24;
	s25 =	simm.s32 $0x540  }
0x22: {  	s24 =	simm.s32 $0x7;
	s8 =	simm.s32 $0x400;
	[smem:$0x7FD] =	sst s20  }
0x23: {  	s10 =	sshrl.u32 s19, $0x3;
	s19 =	simm.s32 $0x4A0;
	[dreg:$0x11] =	wrdreg s25  }
0x24: {  	s12 =	simm.s32 $0x2;
	s23 =	sadd.s32 s10, s6;
	[dreg:$0xe] =	wrdreg s19  }
0x25: {  	s25 =	simm.s32 $0x50;
	s10 =	sadd.s32 s10, s5;
	[dreg:$0x5] =	wrdreg s23  }
0x26: {  	s20 =	simm.s32 $0x8;
	s19 =	simm.s32 $0xA0;
	[dreg:$0x6] =	wrdreg s10  }
0x27: {  	s10 =	sshrl.u32 s26, $0x3;
	s23 =	simm.s32 $0x200;
	s26 =	simm.s32 $0x590  }
0x28: {  	s10 =	sadd.s32 s3, s10;
	s3 =	sadd.s32 s3, s7;
	[dreg:$0x12] =	wrdreg s26  }
0x29: {  	s26 =	simm.s32 $0x800;
	[dreg:$0x1f] =	wrdreg s10;
	s3 =	sadd.s32 $0x27000, s3  }
0x2a: {  	v0 =	vimm.f32 $0.0e+00;
	v1 =	vimm.f32 $1.000000000e+00;
	s10 =	simm.s32 $0x250;
	[smem:$0x7FB] =	sst s3;
	s3 =	simm.s32 $0x6  }
.LBB2_1:
0x2b: {  	s7 =	rddreg [dreg:$0x14]  }
0x2c: {  	[tilespmem:s4], [sflag:$0x7] =	stream.linear.gather [hbm4b:s7+s4], $0x1E0, $0x38;
	[tilespmem:$0x1E000] =	vst v63  }
0x2d: {  	s17 =	rddreg [dreg:$0x15]  }
0x2e: {  	[tilespmem:s23], [sflag:$0x7] =	stream.linear.gather [hbm4b:s17+s4], $0x1E0, $0x38;
	[tilespmem:$0x1E000] =	vst v63  }
0x2f: {  	s7 =	simm.s32 $0x0;
	s17 =	simm.s32 $0x200  }
.LBB2_2:
0x30: {  	p1 =	sne.s32 s17, $0x9E00;
	[tilespmem:s7+$0x5870] =	vst v0  }
0x31: {  	[tilespmem:s7+$0x5800] =	vst v0  }
0x32: {  	[tilespmem:s7+$0x5810] =	vst v0  }
.Ltmp0:
0x33: {  	[tilespmem:s7+$0x5820] =	vst v0;
	(pc) =	sbr.rel @p1 .LBB2_2-.Ltmp0, $4  }
0x34: {  	[tilespmem:s7+$0x5830] =	vst v0  }
0x35: {  	[tilespmem:s7+$0x5840] =	vst v0  }
0x36: {  	[tilespmem:s7+$0x5850] =	vst v0  }
0x37: {  	[tilespmem:s7+$0x5860] =	vst v0;
	s7 =	sshra.s32 s17, $0x2;
	s17 =	sadd.s32 $0x200, s17  }
0x38: {  	[tilespmem:s7+$0x5870] =	vst v0  }
0x39: {  	[tilespmem:s7+$0x5800] =	vst v0  }
0x3a: {  	[tilespmem:s7+$0x5810] =	vst v0  }
0x3b: {  	[tilespmem:s7+$0x5820] =	vst v0  }
0x3c: {  	[tilespmem:s7+$0x5830] =	vst v0  }
0x3d: {  	[tilespmem:s7+$0x5840] =	vst v0  }
0x3e: {  	[tilespmem:s7+$0x5850] =	vst v0  }
0x3f: {  	[smem:$0x7FA] =	sst s13;
	[tilespmem:s7+$0x5860] =	vst v0;
	s7 =	simm.s32 $0x40;
	s17 =	simm.s32 $0x0  }
.LBB2_4:
0x40: {  	p1 =	sne.s32 s7, $0x9C00;
	[tilespmem:s17+$0x8000] =	vst v0;
	s17 =	smov.u32 s7;
	s7 =	sadd.s32 $0x40, s7  }
.Ltmp1:
0x41: {  	(pc) =	sbr.rel @p1 .LBB2_4-.Ltmp1, $2  }
0x42: {  	_ =	sdelay $0x2  }
0x43: {  	s17 =	sshra.s32 s17, $0x2  }
0x44: {  	[tilespmem:s17+$0x8000] =	vst v0  }
0x45: {  	_ =	swait.ge [sflag:s24], $0x1E0  }
0x46: {  	[sflag:s24] =	ssyncset.done $0x0  }
0x47: {  	[sflag:s24] =	ssyncadd.s32 $0xFFFFFE20  }
0x48: {  	_ =	swait.ge [sflag:s24], $0x1E0  }
0x49: {  	[sflag:s24] =	ssyncset.done $0x0  }
0x4a: {  	[sflag:s24] =	ssyncadd.s32 $0xFFFFFE20  }
0x4b: {  	[tilespmem:s26], [sflag:$0x1] =	stream.indirect.gather [hbm4b:s1+s25], $0x80, s23, s25, $0xb8;
	[tilespmem:$0x1E000] =	vst v63  }
0x4c: {  	_ = 	snop  }
0x4d: {  	[tilespmem:s29], [sflag:$0x2] =	stream.indirect.gather [hbm4b:s1+s25], $0x80, s10, s25, $0xb8;
	[tilespmem:$0x1E000] =	vst v63  }
0x4e: {  	_ = 	snop  }
0x4f: {  	[spmem:s22] =	stream.linear.scatter [tilespmem:s30], [sflag:$0x4], $0x2800, $0x38;
	[tilespmem:$0x1E000] =	vst v63  }
0x50: {  	s7 =	rddreg [dreg:$0x16]  }
0x51: {  	[spmem:s7] =	stream.linear.scatter [tilespmem:s30], [sflag:$0x4], $0x2800, $0x38;
	[tilespmem:$0x1E000] =	vst v63  }
0x52: {  	s13 =	rddreg [dreg:$0x17]  }
0x53: {  	[spmem:s13] =	stream.linear.scatter [tilespmem:s30], [sflag:$0x4], $0x2800, $0x38;
	[tilespmem:$0x1E000] =	vst v63  }
0x54: {  	s17 =	rddreg [dreg:$0x18]  }
0x55: {  	[spmem:s17] =	stream.linear.scatter [tilespmem:s30], [sflag:$0x4], $0x2800, $0x38;
	[tilespmem:$0x1E000] =	vst v63  }
0x56: {  	s22 =	rddreg [dreg:$0x19]  }
0x57: {  	[spmem:s22] =	stream.linear.scatter [tilespmem:s30], [sflag:$0x4], $0x2800, $0x38;
	[tilespmem:$0x1E000] =	vst v63  }
0x58: {  	s13 =	rddreg [dreg:$0x1a]  }
0x59: {  	[spmem:s13] =	stream.linear.scatter [tilespmem:s30], [sflag:$0x4], $0x2800, $0x38;
	[tilespmem:$0x1E000] =	vst v63  }
0x5a: {  	s17 =	rddreg [dreg:$0x1b]  }
0x5b: {  	[spmem:s17] =	stream.linear.scatter [tilespmem:s30], [sflag:$0x4], $0x2800, $0x38;
	[tilespmem:$0x1E000] =	vst v63  }
0x5c: {  	s22 =	rddreg [dreg:$0x1c]  }
0x5d: {  	[spmem:s22] =	stream.linear.scatter [tilespmem:s30], [sflag:$0x4], $0x2000, $0x38;
	[tilespmem:$0x1E000] =	vst v63  }
0x5e: {  	s7 =	simm.s32 @!p0 $0x5800  }
0x5f: {  	[spmem:s28] =	stream.linear.scatter @!p0 [tilespmem:s7], [sflag:$0x9], $0x800, $0x38;
	[tilespmem:$0x1E000] =	vst v63  }
0x60: {  	s7 =	simm.s32 @!p0 $0x9  }
0x61: {  	_ =	swait.ge @!p0 [sflag:s7], $0x800  }
0x62: {  	[sflag:s7] =	ssyncset.done @!p0 $0x0  }
0x63: {  	[sflag:s7] =	ssyncadd.s32 @!p0 $0xFFFFF800  }
0x64: {  	_ =	swait.ge [sflag:s31], $0x2800  }
0x65: {  	[sflag:s31] =	ssyncset.done $0x0  }
0x66: {  	[sflag:s31] =	ssyncadd.s32 $0xFFFFD800  }
0x67: {  	_ =	swait.ge [sflag:s31], $0x2800  }
0x68: {  	[sflag:s31] =	ssyncset.done $0x0  }
0x69: {  	[sflag:s31] =	ssyncadd.s32 $0xFFFFD800  }
0x6a: {  	_ =	swait.ge [sflag:s31], $0x2800  }
0x6b: {  	[sflag:s31] =	ssyncset.done $0x0  }
0x6c: {  	[sflag:s31] =	ssyncadd.s32 $0xFFFFD800  }
0x6d: {  	_ =	swait.ge [sflag:s31], $0x2800  }
0x6e: {  	[sflag:s31] =	ssyncset.done $0x0  }
0x6f: {  	[sflag:s31] =	ssyncadd.s32 $0xFFFFD800  }
0x70: {  	_ =	swait.ge [sflag:s31], $0x2800  }
0x71: {  	[sflag:s31] =	ssyncset.done $0x0  }
0x72: {  	[sflag:s31] =	ssyncadd.s32 $0xFFFFD800  }
0x73: {  	_ =	swait.ge [sflag:s31], $0x2800  }
0x74: {  	[sflag:s31] =	ssyncset.done $0x0  }
0x75: {  	[sflag:s31] =	ssyncadd.s32 $0xFFFFD800  }
0x76: {  	_ =	swait.ge [sflag:s31], $0x2800  }
0x77: {  	[sflag:s31] =	ssyncset.done $0x0  }
0x78: {  	[sflag:s31] =	ssyncadd.s32 $0xFFFFD800  }
0x79: {  	_ =	swait.ge [sflag:s31], $0x2000  }
0x7a: {  	[sflag:s31] =	ssyncset.done $0x0  }
0x7b: {  	[sflag:s31] =	ssyncadd.s32 $0xFFFFE000  }
0x7c: {  	s17 =	simm.s32 $0x0;
	[bflag:$0x0] =	sbarrier.arrive $0xFFFF  }
0x7d: {  	[spmem:s2] =	stream.indirect.scatter.add.f32 [tilespmem:s30], [sflag:$0x6], $0x80, s17, s25, $0xb8;
	[tilespmem:$0x1E000] =	vst v63  }
0x7e: {  	s13 =	simm.s32 $0x2A0;
	s7 =	sld [smem:$0x7FD]  }
.LBB2_6:
0x7f: {  	_ =	swait.ge [sflag:s0], $0x2800  }
0x80: {  	[sflag:s0] =	ssyncset.done $0x0  }
0x81: {  	[sflag:s0] =	ssyncadd.s32 $0xFFFFD800  }
0x82: {  	_ =	swait.ge [sflag:s3], $0x2800  }
0x83: {  	s22 =	rddreg [dreg:$0x6];
	[sflag:s3] =	ssyncset.done $0x0  }
0x84: {  	s28 =	rddreg [dreg:$0x5];
	[sflag:s3] =	ssyncadd.s32 $0xFFFFD800;
	s22 =	sadd.s32 s17, s22  }
0x85: {  	[tilespmem:s8], [sflag:$0x8] =	stream.linear.gather [hbm4b:s22+s4], $0x1E0, $0x38;
	[tilespmem:$0x1E000] =	vst v63  }
0x86: {  	s28 =	sadd.s32 s17, s28  }
0x87: {  	[tilespmem:s9], [sflag:$0x8] =	stream.linear.gather [hbm4b:s28+s4], $0x1E0, $0x38;
	[tilespmem:$0x1E000] =	vst v63  }
0x88: {  	_ = 	snop  }
0x89: {  	[tilespmem:s30], [sflag:$0x3] =	stream.indirect.gather [hbm4b:s1+s25], $0x80, s13, s25, $0xb8;
	[tilespmem:$0x1E000] =	vst v63  }
0x8a: {  	_ = 	snop  }
0x8b: {  	[spmem:s2] =	stream.indirect.scatter.add.f32 [tilespmem:s26], [sflag:$0x4], $0x80, s4, s25, $0xb8;
	[tilespmem:$0x1E000] =	vst v63  }
0x8c: {  	v2 =	vld [tilespmem:$0x0];
	_ =	sdelay $0x7  }
0x8d: {  	[tilespmem:v2+s11+$0x0] =	vst.idx.add.f32.msk $0xffff, v1  }
0x8e: {  	v2 =	vld [tilespmem:$0x10];
	_ =	sdelay $0x7  }
0x8f: {  	[tilespmem:v2+s11+$0x0] =	vst.idx.add.f32.msk $0xffff, v1  }
0x90: {  	v2 =	vld [tilespmem:$0x20];
	_ =	sdelay $0x7  }
0x91: {  	[tilespmem:v2+s11+$0x0] =	vst.idx.add.f32.msk $0xffff, v1  }
0x92: {  	v2 =	vld [tilespmem:$0x30];
	_ =	sdelay $0x7  }
0x93: {  	[tilespmem:v2+s11+$0x0] =	vst.idx.add.f32.msk $0xffff, v1  }
0x94: {  	v2 =	vld [tilespmem:$0x40];
	_ =	sdelay $0x7  }
0x95: {  	[tilespmem:v2+s11+$0x0] =	vst.idx.add.f32.msk $0xffff, v1  }
0x96: {  	_ =	swait.ge [sflag:s12], $0x2800  }
0x97: {  	[sflag:s12] =	ssyncset.done $0x0  }
0x98: {  	[sflag:s12] =	ssyncadd.s32 $0xFFFFD800  }
0x99: {  	_ =	swait.ge [sflag:s31], $0x2800  }
0x9a: {  	[sflag:s31] =	ssyncset.done $0x0  }
0x9b: {  	[sflag:s31] =	ssyncadd.s32 $0xFFFFD800  }
0x9c: {  	[tilespmem:s26], [sflag:$0x1] =	stream.indirect.gather [hbm4b:s1+s25], $0x80, s16, s25, $0xb8;
	[tilespmem:$0x1E000] =	vst v63  }
0x9d: {  	_ = 	snop  }
0x9e: {  	[spmem:s2] =	stream.indirect.scatter.add.f32 [tilespmem:s29], [sflag:$0x5], $0x80, s25, s25, $0xb8;
	[tilespmem:$0x1E000] =	vst v63  }
0x9f: {  	v2 =	vld [tilespmem:$0x50];
	_ =	sdelay $0x7  }
0xa0: {  	[tilespmem:v2+s11+$0x0] =	vst.idx.add.f32.msk $0xffff, v1  }
0xa1: {  	v2 =	vld [tilespmem:$0x60];
	_ =	sdelay $0x7  }
0xa2: {  	[tilespmem:v2+s11+$0x0] =	vst.idx.add.f32.msk $0xffff, v1  }
0xa3: {  	v2 =	vld [tilespmem:$0x70];
	_ =	sdelay $0x7  }
0xa4: {  	[tilespmem:v2+s11+$0x0] =	vst.idx.add.f32.msk $0xffff, v1  }
0xa5: {  	v2 =	vld [tilespmem:$0x80];
	_ =	sdelay $0x7  }
0xa6: {  	[tilespmem:v2+s11+$0x0] =	vst.idx.add.f32.msk $0xffff, v1  }
0xa7: {  	v2 =	vld [tilespmem:$0x90];
	_ =	sdelay $0x7  }
0xa8: {  	[tilespmem:v2+s11+$0x0] =	vst.idx.add.f32.msk $0xffff, v1  }
0xa9: {  	_ =	swait.ge [sflag:s14], $0x2800  }
0xaa: {  	[sflag:s14] =	ssyncset.done $0x0  }
0xab: {  	[sflag:s14] =	ssyncadd.s32 $0xFFFFD800  }
0xac: {  	_ =	swait.ge [sflag:s15], $0x2800  }
0xad: {  	[sflag:s15] =	ssyncset.done $0x0  }
0xae: {  	[sflag:s15] =	ssyncadd.s32 $0xFFFFD800  }
0xaf: {  	[tilespmem:s29], [sflag:$0x2] =	stream.indirect.gather [hbm4b:s1+s25], $0x80, s18, s25, $0xb8;
	[tilespmem:$0x1E000] =	vst v63  }
0xb0: {  	_ = 	snop  }
0xb1: {  	[spmem:s2] =	stream.indirect.scatter.add.f32 [tilespmem:s30], [sflag:$0x6], $0x80, s19, s25, $0xb8;
	[tilespmem:$0x1E000] =	vst v63  }
0xb2: {  	v2 =	vld [tilespmem:$0xA0];
	_ =	sdelay $0x7  }
0xb3: {  	[tilespmem:v2+s11+$0x0] =	vst.idx.add.f32.msk $0xffff, v1  }
0xb4: {  	v2 =	vld [tilespmem:$0xB0];
	_ =	sdelay $0x7  }
0xb5: {  	[tilespmem:v2+s11+$0x0] =	vst.idx.add.f32.msk $0xffff, v1  }
0xb6: {  	v2 =	vld [tilespmem:$0xC0];
	_ =	sdelay $0x7  }
0xb7: {  	[tilespmem:v2+s11+$0x0] =	vst.idx.add.f32.msk $0xffff, v1  }
0xb8: {  	v2 =	vld [tilespmem:$0xD0];
	_ =	sdelay $0x7  }
0xb9: {  	[tilespmem:v2+s11+$0x0] =	vst.idx.add.f32.msk $0xffff, v1  }
0xba: {  	v2 =	vld [tilespmem:$0xE0];
	_ =	sdelay $0x7  }
0xbb: {  	[tilespmem:v2+s11+$0x0] =	vst.idx.add.f32.msk $0xffff, v1  }
0xbc: {  	_ =	swait.ge [sflag:s0], $0x2800  }
0xbd: {  	[sflag:s0] =	ssyncset.done $0x0  }
0xbe: {  	[sflag:s0] =	ssyncadd.s32 $0xFFFFD800  }
0xbf: {  	_ =	swait.ge [sflag:s3], $0x2800  }
0xc0: {  	[sflag:s3] =	ssyncset.done $0x0  }
0xc1: {  	s28 =	rddreg [dreg:$0x7];
	[sflag:s3] =	ssyncadd.s32 $0xFFFFD800  }
0xc2: {  	[tilespmem:s30], [sflag:$0x3] =	stream.indirect.gather [hbm4b:s1+s25], $0x80, s28, s25, $0xb8;
	[tilespmem:$0x1E000] =	vst v63  }
0xc3: {  	_ = 	snop  }
0xc4: {  	[spmem:s2] =	stream.indirect.scatter.add.f32 [tilespmem:s26], [sflag:$0x4], $0x80, s21, s25, $0xb8;
	[tilespmem:$0x1E000] =	vst v63  }
0xc5: {  	v2 =	vld [tilespmem:$0xF0];
	_ =	sdelay $0x7  }
0xc6: {  	[tilespmem:v2+s11+$0x0] =	vst.idx.add.f32.msk $0xffff, v1  }
0xc7: {  	v2 =	vld [tilespmem:$0x100];
	_ =	sdelay $0x7  }
0xc8: {  	[tilespmem:v2+s11+$0x0] =	vst.idx.add.f32.msk $0xffff, v1  }
0xc9: {  	v2 =	vld [tilespmem:$0x110];
	_ =	sdelay $0x7  }
0xca: {  	[tilespmem:v2+s11+$0x0] =	vst.idx.add.f32.msk $0xffff, v1  }
0xcb: {  	v2 =	vld [tilespmem:$0x120];
	_ =	sdelay $0x7  }
0xcc: {  	[tilespmem:v2+s11+$0x0] =	vst.idx.add.f32.msk $0xffff, v1  }
0xcd: {  	v2 =	vld [tilespmem:$0x130];
	_ =	sdelay $0x7  }
0xce: {  	[tilespmem:v2+s11+$0x0] =	vst.idx.add.f32.msk $0xffff, v1  }
0xcf: {  	_ =	swait.ge [sflag:s12], $0x2800  }
0xd0: {  	[sflag:s12] =	ssyncset.done $0x0  }
0xd1: {  	[sflag:s12] =	ssyncadd.s32 $0xFFFFD800  }
0xd2: {  	_ =	swait.ge [sflag:s31], $0x2800  }
0xd3: {  	[sflag:s31] =	ssyncset.done $0x0  }
0xd4: {  	[sflag:s31] =	ssyncadd.s32 $0xFFFFD800  }
0xd5: {  	_ =	swait.ge [sflag:s20], $0x1E0  }
0xd6: {  	[sflag:s20] =	ssyncset.done $0x0  }
0xd7: {  	[sflag:s20] =	ssyncadd.s32 $0xFFFFFE20  }
0xd8: {  	_ =	swait.ge [sflag:s20], $0x1E0  }
0xd9: {  	[sflag:s20] =	ssyncset.done $0x0  }
0xda: {  	[sflag:s20] =	ssyncadd.s32 $0xFFFFFE20  }
0xdb: {  	[tilespmem:s26], [sflag:$0x1] =	stream.indirect.gather [hbm4b:s1+s25], $0x80, s9, s25, $0xb8;
	[tilespmem:$0x1E000] =	vst v63  }
0xdc: {  	s28 =	simm.s32 $0x140  }
0xdd: {  	[spmem:s2] =	stream.indirect.scatter.add.f32 [tilespmem:s29], [sflag:$0x5], $0x80, s28, s25, $0xb8;
	[tilespmem:$0x1E000] =	vst v63  }
0xde: {  	v2 =	vld [tilespmem:$0x140];
	_ =	sdelay $0x7  }
0xdf: {  	[tilespmem:v2+s11+$0x0] =	vst.idx.add.f32.msk $0xffff, v1  }
0xe0: {  	v2 =	vld [tilespmem:$0x150];
	_ =	sdelay $0x7  }
0xe1: {  	[tilespmem:v2+s11+$0x0] =	vst.idx.add.f32.msk $0xffff, v1  }
0xe2: {  	v2 =	vld [tilespmem:$0x160];
	_ =	sdelay $0x7  }
0xe3: {  	[tilespmem:v2+s11+$0x0] =	vst.idx.add.f32.msk $0xffff, v1  }
0xe4: {  	v2 =	vld [tilespmem:$0x170];
	_ =	sdelay $0x7  }
0xe5: {  	[tilespmem:v2+s11+$0x0] =	vst.idx.add.f32.msk $0xffff, v1  }
0xe6: {  	v2 =	vld [tilespmem:$0x180];
	_ =	sdelay $0x7  }
0xe7: {  	[tilespmem:v2+s11+$0x0] =	vst.idx.add.f32.msk $0xffff, v1  }
0xe8: {  	_ =	swait.ge [sflag:s14], $0x2800  }
0xe9: {  	[sflag:s14] =	ssyncset.done $0x0  }
0xea: {  	[sflag:s14] =	ssyncadd.s32 $0xFFFFD800  }
0xeb: {  	_ =	swait.ge [sflag:s15], $0x2800  }
0xec: {  	[sflag:s15] =	ssyncset.done $0x0  }
0xed: {  	s22 =	rddreg [dreg:$0x8];
	[sflag:s15] =	ssyncadd.s32 $0xFFFFD800  }
0xee: {  	[tilespmem:s29], [sflag:$0x2] =	stream.indirect.gather [hbm4b:s1+s25], $0x80, s22, s25, $0xb8;
	[tilespmem:$0x1E000] =	vst v63  }
0xef: {  	s28 =	rddreg [dreg:$0x9]  }
0xf0: {  	[spmem:s2] =	stream.indirect.scatter.add.f32 [tilespmem:s30], [sflag:$0x6], $0x80, s28, s25, $0xb8;
	[tilespmem:$0x1E000] =	vst v63  }
0xf1: {  	v2 =	vld [tilespmem:$0x190];
	_ =	sdelay $0x7  }
0xf2: {  	[tilespmem:v2+s11+$0x0] =	vst.idx.add.f32.msk $0xffff, v1  }
0xf3: {  	v2 =	vld [tilespmem:$0x1A0];
	_ =	sdelay $0x7  }
0xf4: {  	[tilespmem:v2+s11+$0x0] =	vst.idx.add.f32.msk $0xffff, v1  }
0xf5: {  	v2 =	vld [tilespmem:$0x1B0];
	_ =	sdelay $0x7  }
0xf6: {  	[tilespmem:v2+s11+$0x0] =	vst.idx.add.f32.msk $0xffff, v1  }
0xf7: {  	v2 =	vld [tilespmem:$0x1C0];
	_ =	sdelay $0x7  }
0xf8: {  	[tilespmem:v2+s11+$0x0] =	vst.idx.add.f32.msk $0xffff, v1  }
0xf9: {  	v2 =	vld [tilespmem:$0x1D0];
	_ =	sdelay $0x7  }
0xfa: {  	[tilespmem:v2+s11+$0x0] =	vst.idx.add.f32.msk $0xffff, v1  }
0xfb: {  	_ =	swait.ge [sflag:s0], $0x2800  }
0xfc: {  	[sflag:s0] =	ssyncset.done $0x0  }
0xfd: {  	[sflag:s0] =	ssyncadd.s32 $0xFFFFD800  }
0xfe: {  	_ =	swait.ge [sflag:s3], $0x2800  }
0xff: {  	s22 =	sshrl.u32 s7, $0x3;
	[sflag:s3] =	ssyncset.done $0x0  }
0x100: {  	s28 =	sadd.s32 s5, s22;
	[sflag:s3] =	ssyncadd.s32 $0xFFFFD800  }
0x101: {  	[tilespmem:s4], [sflag:$0x7] =	stream.linear.gather [hbm4b:s28+s4], $0x1E0, $0x38;
	[tilespmem:$0x1E000] =	vst v63  }
0x102: {  	s22 =	sadd.s32 s6, s22  }
0x103: {  	[tilespmem:s23], [sflag:$0x7] =	stream.linear.gather [hbm4b:s22+s4], $0x1E0, $0x38;
	[tilespmem:$0x1E000] =	vst v63  }
0x104: {  	s28 =	rddreg [dreg:$0xa]  }
0x105: {  	[tilespmem:s30], [sflag:$0x3] =	stream.indirect.gather [hbm4b:s1+s25], $0x80, s28, s25, $0xb8;
	[tilespmem:$0x1E000] =	vst v63  }
0x106: {  	_ = 	snop  }
0x107: {  	[spmem:s2] =	stream.indirect.scatter.add.f32 [tilespmem:s26], [sflag:$0x4], $0x80, s8, s25, $0xb8;
	[tilespmem:$0x1E000] =	vst v63  }
0x108: {  	v2 =	vld [tilespmem:$0x400];
	_ =	sdelay $0x7  }
0x109: {  	[tilespmem:v2+s11+$0x0] =	vst.idx.add.f32.msk $0xffff, v1  }
0x10a: {  	v2 =	vld [tilespmem:$0x410];
	_ =	sdelay $0x7  }
0x10b: {  	[tilespmem:v2+s11+$0x0] =	vst.idx.add.f32.msk $0xffff, v1  }
0x10c: {  	v2 =	vld [tilespmem:$0x420];
	_ =	sdelay $0x7  }
0x10d: {  	[tilespmem:v2+s11+$0x0] =	vst.idx.add.f32.msk $0xffff, v1  }
0x10e: {  	v2 =	vld [tilespmem:$0x430];
	_ =	sdelay $0x7  }
0x10f: {  	[tilespmem:v2+s11+$0x0] =	vst.idx.add.f32.msk $0xffff, v1  }
0x110: {  	v2 =	vld [tilespmem:$0x440];
	_ =	sdelay $0x7  }
0x111: {  	[tilespmem:v2+s11+$0x0] =	vst.idx.add.f32.msk $0xffff, v1  }
0x112: {  	_ =	swait.ge [sflag:s12], $0x2800  }
0x113: {  	[sflag:s12] =	ssyncset.done $0x0  }
0x114: {  	[sflag:s12] =	ssyncadd.s32 $0xFFFFD800  }
0x115: {  	_ =	swait.ge [sflag:s31], $0x2800  }
0x116: {  	[sflag:s31] =	ssyncset.done $0x0  }
0x117: {  	s22 =	rddreg [dreg:$0xb];
	[sflag:s31] =	ssyncadd.s32 $0xFFFFD800  }
0x118: {  	[tilespmem:s26], [sflag:$0x1] =	stream.indirect.gather [hbm4b:s1+s25], $0x80, s22, s25, $0xb8;
	[tilespmem:$0x1E000] =	vst v63  }
0x119: {  	s28 =	rddreg [dreg:$0xc]  }
0x11a: {  	[spmem:s2] =	stream.indirect.scatter.add.f32 [tilespmem:s29], [sflag:$0x5], $0x80, s28, s25, $0xb8;
	[tilespmem:$0x1E000] =	vst v63  }
0x11b: {  	v2 =	vld [tilespmem:$0x450];
	_ =	sdelay $0x7  }
0x11c: {  	[tilespmem:v2+s11+$0x0] =	vst.idx.add.f32.msk $0xffff, v1  }
0x11d: {  	v2 =	vld [tilespmem:$0x460];
	_ =	sdelay $0x7  }
0x11e: {  	[tilespmem:v2+s11+$0x0] =	vst.idx.add.f32.msk $0xffff, v1  }
0x11f: {  	v2 =	vld [tilespmem:$0x470];
	_ =	sdelay $0x7  }
0x120: {  	[tilespmem:v2+s11+$0x0] =	vst.idx.add.f32.msk $0xffff, v1  }
0x121: {  	v2 =	vld [tilespmem:$0x480];
	_ =	sdelay $0x7  }
0x122: {  	[tilespmem:v2+s11+$0x0] =	vst.idx.add.f32.msk $0xffff, v1  }
0x123: {  	v2 =	vld [tilespmem:$0x490];
	_ =	sdelay $0x7  }
0x124: {  	[tilespmem:v2+s11+$0x0] =	vst.idx.add.f32.msk $0xffff, v1  }
0x125: {  	_ =	swait.ge [sflag:s14], $0x2800  }
0x126: {  	[sflag:s14] =	ssyncset.done $0x0  }
0x127: {  	[sflag:s14] =	ssyncadd.s32 $0xFFFFD800  }
0x128: {  	_ =	swait.ge [sflag:s15], $0x2800  }
0x129: {  	[sflag:s15] =	ssyncset.done $0x0  }
0x12a: {  	s22 =	rddreg [dreg:$0xd];
	[sflag:s15] =	ssyncadd.s32 $0xFFFFD800  }
0x12b: {  	[tilespmem:s29], [sflag:$0x2] =	stream.indirect.gather [hbm4b:s1+s25], $0x80, s22, s25, $0xb8;
	[tilespmem:$0x1E000] =	vst v63  }
0x12c: {  	s28 =	rddreg [dreg:$0xe]  }
0x12d: {  	[spmem:s2] =	stream.indirect.scatter.add.f32 [tilespmem:s30], [sflag:$0x6], $0x80, s28, s25, $0xb8;
	[tilespmem:$0x1E000] =	vst v63  }
0x12e: {  	v2 =	vld [tilespmem:$0x4A0];
	_ =	sdelay $0x7  }
0x12f: {  	[tilespmem:v2+s11+$0x0] =	vst.idx.add.f32.msk $0xffff, v1  }
0x130: {  	v2 =	vld [tilespmem:$0x4B0];
	_ =	sdelay $0x7  }
0x131: {  	[tilespmem:v2+s11+$0x0] =	vst.idx.add.f32.msk $0xffff, v1  }
0x132: {  	v2 =	vld [tilespmem:$0x4C0];
	_ =	sdelay $0x7  }
0x133: {  	[tilespmem:v2+s11+$0x0] =	vst.idx.add.f32.msk $0xffff, v1  }
0x134: {  	v2 =	vld [tilespmem:$0x4D0];
	_ =	sdelay $0x7  }
0x135: {  	[tilespmem:v2+s11+$0x0] =	vst.idx.add.f32.msk $0xffff, v1  }
0x136: {  	v2 =	vld [tilespmem:$0x4E0];
	_ =	sdelay $0x7  }
0x137: {  	[tilespmem:v2+s11+$0x0] =	vst.idx.add.f32.msk $0xffff, v1  }
0x138: {  	_ =	swait.ge [sflag:s0], $0x2800  }
0x139: {  	[sflag:s0] =	ssyncset.done $0x0  }
0x13a: {  	[sflag:s0] =	ssyncadd.s32 $0xFFFFD800  }
0x13b: {  	_ =	swait.ge [sflag:s3], $0x2800  }
0x13c: {  	[sflag:s3] =	ssyncset.done $0x0  }
0x13d: {  	s22 =	rddreg [dreg:$0xf];
	[sflag:s3] =	ssyncadd.s32 $0xFFFFD800  }
0x13e: {  	[tilespmem:s30], [sflag:$0x3] =	stream.indirect.gather [hbm4b:s1+s25], $0x80, s22, s25, $0xb8;
	[tilespmem:$0x1E000] =	vst v63  }
0x13f: {  	s28 =	rddreg [dreg:$0x10]  }
0x140: {  	[spmem:s2] =	stream.indirect.scatter.add.f32 [tilespmem:s26], [sflag:$0x4], $0x80, s28, s25, $0xb8;
	[tilespmem:$0x1E000] =	vst v63  }
0x141: {  	v2 =	vld [tilespmem:$0x4F0];
	_ =	sdelay $0x7  }
0x142: {  	[tilespmem:v2+s11+$0x0] =	vst.idx.add.f32.msk $0xffff, v1  }
0x143: {  	v2 =	vld [tilespmem:$0x500];
	_ =	sdelay $0x7  }
0x144: {  	[tilespmem:v2+s11+$0x0] =	vst.idx.add.f32.msk $0xffff, v1  }
0x145: {  	v2 =	vld [tilespmem:$0x510];
	_ =	sdelay $0x7  }
0x146: {  	[tilespmem:v2+s11+$0x0] =	vst.idx.add.f32.msk $0xffff, v1  }
0x147: {  	v2 =	vld [tilespmem:$0x520];
	_ =	sdelay $0x7  }
0x148: {  	[tilespmem:v2+s11+$0x0] =	vst.idx.add.f32.msk $0xffff, v1  }
0x149: {  	v2 =	vld [tilespmem:$0x530];
	_ =	sdelay $0x7  }
0x14a: {  	[tilespmem:v2+s11+$0x0] =	vst.idx.add.f32.msk $0xffff, v1  }
0x14b: {  	_ =	swait.ge [sflag:s12], $0x2800  }
0x14c: {  	[sflag:s12] =	ssyncset.done $0x0  }
0x14d: {  	[sflag:s12] =	ssyncadd.s32 $0xFFFFD800  }
0x14e: {  	_ =	swait.ge [sflag:s31], $0x2800  }
0x14f: {  	[sflag:s31] =	ssyncset.done $0x0  }
0x150: {  	[sflag:s31] =	ssyncadd.s32 $0xFFFFD800  }
0x151: {  	_ =	swait.ge [sflag:s24], $0x1E0  }
0x152: {  	[sflag:s24] =	ssyncset.done $0x0  }
0x153: {  	[sflag:s24] =	ssyncadd.s32 $0xFFFFFE20  }
0x154: {  	_ =	swait.ge [sflag:s24], $0x1E0  }
0x155: {  	[sflag:s24] =	ssyncset.done $0x0  }
0x156: {  	[sflag:s24] =	ssyncadd.s32 $0xFFFFFE20  }
0x157: {  	[tilespmem:s26], [sflag:$0x1] =	stream.indirect.gather [hbm4b:s1+s25], $0x80, s23, s25, $0xb8;
	[tilespmem:$0x1E000] =	vst v63  }
0x158: {  	s28 =	rddreg [dreg:$0x11]  }
0x159: {  	[spmem:s2] =	stream.indirect.scatter.add.f32 [tilespmem:s29], [sflag:$0x5], $0x80, s28, s25, $0xb8;
	[tilespmem:$0x1E000] =	vst v63  }
0x15a: {  	v2 =	vld [tilespmem:$0x540];
	_ =	sdelay $0x7  }
0x15b: {  	[tilespmem:v2+s11+$0x0] =	vst.idx.add.f32.msk $0xffff, v1  }
0x15c: {  	v2 =	vld [tilespmem:$0x550];
	_ =	sdelay $0x7  }
0x15d: {  	[tilespmem:v2+s11+$0x0] =	vst.idx.add.f32.msk $0xffff, v1  }
0x15e: {  	v2 =	vld [tilespmem:$0x560];
	_ =	sdelay $0x7  }
0x15f: {  	[tilespmem:v2+s11+$0x0] =	vst.idx.add.f32.msk $0xffff, v1  }
0x160: {  	v2 =	vld [tilespmem:$0x570];
	_ =	sdelay $0x7  }
0x161: {  	[tilespmem:v2+s11+$0x0] =	vst.idx.add.f32.msk $0xffff, v1  }
0x162: {  	v2 =	vld [tilespmem:$0x580];
	_ =	sdelay $0x7  }
0x163: {  	[tilespmem:v2+s11+$0x0] =	vst.idx.add.f32.msk $0xffff, v1  }
0x164: {  	_ =	swait.ge [sflag:s14], $0x2800  }
0x165: {  	[sflag:s14] =	ssyncset.done $0x0  }
0x166: {  	[sflag:s14] =	ssyncadd.s32 $0xFFFFD800  }
0x167: {  	_ =	swait.ge [sflag:s15], $0x2800  }
0x168: {  	[sflag:s15] =	ssyncset.done $0x0  }
0x169: {  	[sflag:s15] =	ssyncadd.s32 $0xFFFFD800  }
0x16a: {  	[tilespmem:s29], [sflag:$0x2] =	stream.indirect.gather [hbm4b:s1+s25], $0x80, s10, s25, $0xb8;
	[tilespmem:$0x1E000] =	vst v63  }
0x16b: {  	s28 =	rddreg [dreg:$0x12]  }
0x16c: {  	[spmem:s2] =	stream.indirect.scatter.add.f32 [tilespmem:s30], [sflag:$0x6], $0x80, s28, s25, $0xb8;
	[tilespmem:$0x1E000] =	vst v63  }
0x16d: {  	v2 =	vld [tilespmem:$0x590];
	_ =	sdelay $0x7  }
0x16e: {  	[tilespmem:v2+s11+$0x0] =	vst.idx.add.f32.msk $0xffff, v1  }
0x16f: {  	v2 =	vld [tilespmem:$0x5A0];
	_ =	sdelay $0x7  }
0x170: {  	[tilespmem:v2+s11+$0x0] =	vst.idx.add.f32.msk $0xffff, v1  }
0x171: {  	v2 =	vld [tilespmem:$0x5B0];
	_ =	sdelay $0x7  }
0x172: {  	[tilespmem:v2+s11+$0x0] =	vst.idx.add.f32.msk $0xffff, v1  }
0x173: {  	v2 =	vld [tilespmem:$0x5C0];
	_ =	sdelay $0x7  }
0x174: {  	[tilespmem:v2+s11+$0x0] =	vst.idx.add.f32.msk $0xffff, v1  }
0x175: {  	v2 =	vld [tilespmem:$0x5D0];
	_ =	sdelay $0x2  }
0x176: {  	p1 =	sne.s32 s17, $0x438  }
.Ltmp2:
0x177: {  	_ = 	snop;
	(pc) =	sbr.rel @p1 .LBB2_6-.Ltmp2, $2  }
0x178: {  	_ =	sdelay $0x2  }
0x179: {  	s17 =	sadd.s32 $0x78, s17;
	s7 =	sadd.s32 $0x3C0, s7;
	[tilespmem:v2+s11+$0x0] =	vst.idx.add.f32.msk $0xffff, v1  }
0x17a: {  	_ =	swait.ge [sflag:s0], $0x2800  }
0x17b: {  	[sflag:s0] =	ssyncset.done $0x0  }
0x17c: {  	[sflag:s0] =	ssyncadd.s32 $0xFFFFD800  }
0x17d: {  	_ =	swait.ge [sflag:s3], $0x2800  }
0x17e: {  	[sflag:s3] =	ssyncset.done $0x0  }
0x17f: {  	[sflag:s3] =	ssyncadd.s32 $0xFFFFD800  }
0x180: {  	[tilespmem:s30], [sflag:$0x3] =	stream.indirect.gather [hbm4b:s1+s25], $0x80, s13, s25, $0xb8;
	[tilespmem:$0x1E000] =	vst v63  }
0x181: {  	_ = 	snop  }
0x182: {  	[spmem:s2] =	stream.indirect.scatter.add.f32 [tilespmem:s26], [sflag:$0x4], $0x80, s4, s25, $0xb8;
	[tilespmem:$0x1E000] =	vst v63  }
0x183: {  	v2 =	vld [tilespmem:$0x0];
	_ =	sdelay $0x7  }
0x184: {  	[tilespmem:v2+s11+$0x0] =	vst.idx.add.f32.msk $0xffff, v1  }
0x185: {  	v2 =	vld [tilespmem:$0x10];
	_ =	sdelay $0x7  }
0x186: {  	[tilespmem:v2+s11+$0x0] =	vst.idx.add.f32.msk $0xffff, v1  }
0x187: {  	v2 =	vld [tilespmem:$0x20];
	_ =	sdelay $0x7  }
0x188: {  	[tilespmem:v2+s11+$0x0] =	vst.idx.add.f32.msk $0xffff, v1  }
0x189: {  	v2 =	vld [tilespmem:$0x30];
	_ =	sdelay $0x7  }
0x18a: {  	[tilespmem:v2+s11+$0x0] =	vst.idx.add.f32.msk $0xffff, v1  }
0x18b: {  	v2 =	vld [tilespmem:$0x40];
	_ =	sdelay $0x7  }
0x18c: {  	[tilespmem:v2+s11+$0x0] =	vst.idx.add.f32.msk $0xffff, v1  }
0x18d: {  	_ =	swait.ge [sflag:s12], $0x2800  }
0x18e: {  	[sflag:s12] =	ssyncset.done $0x0  }
0x18f: {  	[sflag:s12] =	ssyncadd.s32 $0xFFFFD800  }
0x190: {  	_ =	swait.ge [sflag:s31], $0x2800  }
0x191: {  	[sflag:s31] =	ssyncset.done $0x0  }
0x192: {  	[sflag:s31] =	ssyncadd.s32 $0xFFFFD800  }
0x193: {  	[tilespmem:s26], [sflag:$0x1] =	stream.indirect.gather [hbm4b:s1+s25], $0x80, s16, s25, $0xb8;
	[tilespmem:$0x1E000] =	vst v63  }
0x194: {  	_ = 	snop  }
0x195: {  	[spmem:s2] =	stream.indirect.scatter.add.f32 [tilespmem:s29], [sflag:$0x5], $0x80, s25, s25, $0xb8;
	[tilespmem:$0x1E000] =	vst v63  }
0x196: {  	v2 =	vld [tilespmem:$0x50];
	_ =	sdelay $0x7  }
0x197: {  	[tilespmem:v2+s11+$0x0] =	vst.idx.add.f32.msk $0xffff, v1  }
0x198: {  	v2 =	vld [tilespmem:$0x60];
	_ =	sdelay $0x7  }
0x199: {  	[tilespmem:v2+s11+$0x0] =	vst.idx.add.f32.msk $0xffff, v1  }
0x19a: {  	v2 =	vld [tilespmem:$0x70];
	_ =	sdelay $0x7  }
0x19b: {  	[tilespmem:v2+s11+$0x0] =	vst.idx.add.f32.msk $0xffff, v1  }
0x19c: {  	v2 =	vld [tilespmem:$0x80];
	_ =	sdelay $0x7  }
0x19d: {  	[tilespmem:v2+s11+$0x0] =	vst.idx.add.f32.msk $0xffff, v1  }
0x19e: {  	v2 =	vld [tilespmem:$0x90];
	_ =	sdelay $0x7  }
0x19f: {  	[tilespmem:v2+s11+$0x0] =	vst.idx.add.f32.msk $0xffff, v1  }
0x1a0: {  	_ =	swait.ge [sflag:s14], $0x2800  }
0x1a1: {  	[sflag:s14] =	ssyncset.done $0x0  }
0x1a2: {  	[sflag:s14] =	ssyncadd.s32 $0xFFFFD800  }
0x1a3: {  	_ =	swait.ge [sflag:s15], $0x2800  }
0x1a4: {  	[sflag:s15] =	ssyncset.done $0x0  }
0x1a5: {  	[sflag:s15] =	ssyncadd.s32 $0xFFFFD800  }
0x1a6: {  	[tilespmem:s29], [sflag:$0x2] =	stream.indirect.gather [hbm4b:s1+s25], $0x80, s18, s25, $0xb8;
	[tilespmem:$0x1E000] =	vst v63  }
0x1a7: {  	_ = 	snop  }
0x1a8: {  	[spmem:s2] =	stream.indirect.scatter.add.f32 [tilespmem:s30], [sflag:$0x6], $0x80, s19, s25, $0xb8;
	[tilespmem:$0x1E000] =	vst v63  }
0x1a9: {  	v2 =	vld [tilespmem:$0xA0];
	_ =	sdelay $0x7  }
0x1aa: {  	[tilespmem:v2+s11+$0x0] =	vst.idx.add.f32.msk $0xffff, v1  }
0x1ab: {  	v2 =	vld [tilespmem:$0xB0];
	_ =	sdelay $0x7  }
0x1ac: {  	[tilespmem:v2+s11+$0x0] =	vst.idx.add.f32.msk $0xffff, v1  }
0x1ad: {  	v2 =	vld [tilespmem:$0xC0];
	_ =	sdelay $0x7  }
0x1ae: {  	[tilespmem:v2+s11+$0x0] =	vst.idx.add.f32.msk $0xffff, v1  }
0x1af: {  	v2 =	vld [tilespmem:$0xD0];
	_ =	sdelay $0x7  }
0x1b0: {  	[tilespmem:v2+s11+$0x0] =	vst.idx.add.f32.msk $0xffff, v1  }
0x1b1: {  	v2 =	vld [tilespmem:$0xE0];
	_ =	sdelay $0x7  }
0x1b2: {  	[tilespmem:v2+s11+$0x0] =	vst.idx.add.f32.msk $0xffff, v1  }
0x1b3: {  	_ =	swait.ge [sflag:s0], $0x2800  }
0x1b4: {  	[sflag:s0] =	ssyncset.done $0x0  }
0x1b5: {  	[sflag:s0] =	ssyncadd.s32 $0xFFFFD800  }
0x1b6: {  	_ =	swait.ge [sflag:s3], $0x2800  }
0x1b7: {  	[sflag:s3] =	ssyncset.done $0x0  }
0x1b8: {  	[sflag:s3] =	ssyncadd.s32 $0xFFFFD800  }
0x1b9: {  	[spmem:s2] =	stream.indirect.scatter.add.f32 [tilespmem:s26], [sflag:$0x4], $0x80, s21, s25, $0xb8;
	[tilespmem:$0x1E000] =	vst v63  }
0x1ba: {  	v2 =	vld [tilespmem:$0xF0];
	_ =	sdelay $0x7  }
0x1bb: {  	[tilespmem:v2+s11+$0x0] =	vst.idx.add.f32.msk $0xffff, v1  }
0x1bc: {  	v2 =	vld [tilespmem:$0x100];
	_ =	sdelay $0x7  }
0x1bd: {  	[tilespmem:v2+s11+$0x0] =	vst.idx.add.f32.msk $0xffff, v1  }
0x1be: {  	v2 =	vld [tilespmem:$0x110];
	_ =	sdelay $0x7  }
0x1bf: {  	[tilespmem:v2+s11+$0x0] =	vst.idx.add.f32.msk $0xffff, v1  }
0x1c0: {  	v2 =	vld [tilespmem:$0x120];
	_ =	sdelay $0x7  }
0x1c1: {  	[tilespmem:v2+s11+$0x0] =	vst.idx.add.f32.msk $0xffff, v1  }
0x1c2: {  	v2 =	vld [tilespmem:$0x130];
	_ =	sdelay $0x7  }
0x1c3: {  	[tilespmem:v2+s11+$0x0] =	vst.idx.add.f32.msk $0xffff, v1  }
0x1c4: {  	_ =	swait.ge [sflag:s12], $0x2800  }
0x1c5: {  	[sflag:s12] =	ssyncset.done $0x0  }
0x1c6: {  	[sflag:s12] =	ssyncadd.s32 $0xFFFFD800  }
0x1c7: {  	_ =	swait.ge [sflag:s31], $0x2800  }
0x1c8: {  	[sflag:s31] =	ssyncset.done $0x0  }
0x1c9: {  	s7 =	simm.s32 $0x140;
	[sflag:s31] =	ssyncadd.s32 $0xFFFFD800  }
0x1ca: {  	[spmem:s2] =	stream.indirect.scatter.add.f32 [tilespmem:s29], [sflag:$0x5], $0x80, s7, s25, $0xb8;
	[tilespmem:$0x1E000] =	vst v63  }
0x1cb: {  	v2 =	vld [tilespmem:$0x140];
	_ =	sdelay $0x7  }
0x1cc: {  	[tilespmem:v2+s11+$0x0] =	vst.idx.add.f32.msk $0xffff, v1  }
0x1cd: {  	v2 =	vld [tilespmem:$0x150];
	_ =	sdelay $0x7  }
0x1ce: {  	[tilespmem:v2+s11+$0x0] =	vst.idx.add.f32.msk $0xffff, v1  }
0x1cf: {  	v2 =	vld [tilespmem:$0x160];
	_ =	sdelay $0x7  }
0x1d0: {  	[tilespmem:v2+s11+$0x0] =	vst.idx.add.f32.msk $0xffff, v1  }
0x1d1: {  	v2 =	vld [tilespmem:$0x170];
	_ =	sdelay $0x7  }
0x1d2: {  	[tilespmem:v2+s11+$0x0] =	vst.idx.add.f32.msk $0xffff, v1  }
0x1d3: {  	v2 =	vld [tilespmem:$0x180];
	_ =	sdelay $0x7  }
0x1d4: {  	[tilespmem:v2+s11+$0x0] =	vst.idx.add.f32.msk $0xffff, v1  }
0x1d5: {  	_ =	swait.ge [sflag:s15], $0x2800  }
0x1d6: {  	[sflag:s15] =	ssyncset.done $0x0  }
0x1d7: {  	[sflag:s15] =	ssyncadd.s32 $0xFFFFD800  }
0x1d8: {  	[bflag:$0x0] =	sbarrier.arrive $0xFFFF  }
0x1d9: {  	s22 =	stileid.u32;
	s17 =	rddreg [dreg:$0x1e]  }
0x1da: {  	s10 =	simm.s32 $0x9;
	s7 =	sshll.u32 s22, $0x6;
	s22 =	rddreg [dreg:$0x13]  }
0x1db: {  	[hbm4b:s17+s4] =	stream.linear.scatter [tilespmem:s11], [sflag:$0x1], $0x2710, $0x38;
	[tilespmem:$0x1E000] =	vst v63  }
0x1dc: {  	s7 =	sor.u32 $0x1C09, s7;
	s28 =	rddreg [dreg:$0x1f];
	s17 =	sshrl.u32 s22, $0x3  }
0x1dd: {  	[hbm:s28], [sflag:s7] =	dma.local [spmem:s17], $0x2700  }
0x1de: {  	_ =	swait.ge [sflag:s10], $0x2700  }
0x1df: {  	[sflag:s10] =	ssyncset.done $0x0  }
0x1e0: {  	[sflag:s10] =	ssyncadd.s32 $0xFFFFD900;
	s10 =	sld [smem:$0x7FB]  }
0x1e1: {  	s28 =	rddreg [dreg:$0x1d]  }
0x1e2: {  	s17 =	sshrl.u32 @!p0 s28, $0x3  }
0x1e3: {  	[hbm:s10], [sflag:s7] =	dma.local @!p0 [spmem:s17], $0x100  }
0x1e4: {  	s7 =	simm.s32 @!p0 $0x9  }
0x1e5: {  	_ =	swait.ge @!p0 [sflag:s7], $0x100  }
0x1e6: {  	[sflag:s7] =	ssyncset.done @!p0 $0x0  }
0x1e7: {  	[sflag:s7] =	ssyncadd.s32 @!p0 $0xFFFFFF00  }
0x1e8: {  	_ =	swait.ge [sflag:s0], $0x2710  }
0x1e9: {  	s7 =	sld [smem:$0x7FA]  }
0x1ea: {  	s17 =	sld [smem:$0x7FC];
	_ =	sdelay $0x1  }
0x1eb: {  	s13 =	sadd.s32 $0x1, s7  }
0x1ec: {  	p1 =	sne.s32 s13, s17  }
.Ltmp3:
0x1ed: {  	_ = 	snop;
	(pc) =	sbr.rel @p1 .LBB2_1-.Ltmp3, $3  }
0x1ee: {  	_ =	sdelay $0x1  }
0x1ef: {  	[sflag:s0] =	ssyncset.done $0x0  }
0x1f0: {  	s10 =	simm.s32 $0x250;
	[sflag:s0] =	ssyncadd.s32 $0xFFFFD8F0  }
0x1f1: {  	_ =	sfence.sel $0x180000  }
0x1f2: {  	[bflag:$0x0] =	sbarrier.arrive $0xFFFF  }
0x1f3: {  	_ =	strace $0x90000047  }
0x1f4: {  	s0 =	stileid.u32;
	[bflag:$0x2] =	sbarrier.arrive $0xFFFF  }
0x1f5: {  	p0 =	sne.s32 s0, $0x0;
	s0 =	rddreg [dreg:$0x4]  }
0x1f6: {  	s0 =	sadd.s32 @!p0 $0x100000, s0  }
0x1f7: {  	[sflag:s0] =	ssyncadd.tile.s32 @!p0 $0x1;
	_ =	shalt  }
.Lfunc_end2:
_tile_overlayer_lowered:
.L_overlay_start_2:
0x1f8: {  	(tag) =	ssettag $0x2  }
0x1f9: {  	s0 =	rddreg [dreg:$0x0];
	s2 =	stileid.u32  }
0x1fa: {  	s1 =	rddreg [dreg:$0x1];
	p0 =	sne.s32 s2, $0x0  }
0x1fb: {  	s3 =	rddreg [dreg:$0x2];
	[bflag:$0x3] =	sbarrier.arrive $0xFFFF;
	s2 =	simm.s32 @!p0 $0x1C09  }
0x1fc: {  	[timem:s3], [sflag:s2] =	dma.local @!p0 [hbm:s0], s1  }
0x1fd: {  	s0 =	simm.s32 @!p0 $0x9  }
0x1fe: {  	_ =	swait.ge @!p0 [sflag:s0], s1  }
0x1ff: {  	s1 =	ssub.s32 @!p0 $0x0, s1;
	[sflag:s0] =	ssyncset.done @!p0 $0x0  }
0x200: {  	[sflag:s0] =	ssyncadd.s32 @!p0 s1  }
0x201: {  	[bflag:$0x3] =	sbarrier.arrive $0xFFFF  }
0x202: {  	_ =	shalt  }

</sc_bundles>
